<compile_context>
chip_gen: v7x
topology: tpu7x:2x2x1
jax: 0.10.2.dev20260603
libtpu: 0.0.44.dev20260713+nightly
codegen_flags: <defaults>
</compile_context>

<pallas_src>
import functools

import jax
import jax.numpy as jnp
from jax import lax
from jax.experimental import pallas as pl
from jax.experimental.pallas import tpu as pltpu
from jax.experimental.pallas import tpu_sc as plsc

NUM_CORES = 2
NUM_SUBCORES = 16
NUM_WORKERS = NUM_CORES * NUM_SUBCORES
NBUF = 8
GAHEAD = 6


@functools.partial(jax.jit, static_argnames=())
def _sc_embedding_gather(idx2, table):
    B, L = idx2.shape
    D = table.shape[1]
    rpw = B // NUM_WORKERS
    mesh = plsc.VectorSubcoreMesh(core_axis_name="c", subcore_axis_name="s")

    @functools.partial(
        pl.kernel,
        mesh=mesh,
        out_type=jax.ShapeDtypeStruct((B, L, D), jnp.float32),
        scratch_types=[
            pltpu.VMEM((rpw, L), jnp.int32),
            pltpu.VMEM((NBUF, L, D), jnp.float32),
            pltpu.SemaphoreType.DMA((NBUF,)),
            pltpu.SemaphoreType.DMA((NBUF,)),
            pltpu.SemaphoreType.DMA,
        ],
        compiler_params=pltpu.CompilerParams(use_tc_tiling_on_sc=False),
    )
    def k(idx_hbm, table_hbm, out_hbm, idx_v, bufs, gsem, osem, isem):
        wid = lax.axis_index("s") * NUM_CORES + lax.axis_index("c")
        base = wid * rpw
        pltpu.async_copy(
            idx_hbm.at[pl.ds(base, rpw)], idx_v, isem).wait()

        def gather(j, b):
            return pltpu.make_async_copy(table_hbm.at[idx_v.at[j]],
                                         bufs.at[b], gsem.at[b])

        def out_copy(j, b):
            return pltpu.make_async_copy(bufs.at[b], out_hbm.at[base + j],
                                         osem.at[b])

        for b in range(GAHEAD):
            gather(b, b).start()

        def body(j, carry):
            b = lax.rem(j, NBUF)
            gather(j, b).wait()
            out_copy(j, b).start()
            nxt = j + GAHEAD

            @pl.when(nxt < rpw)
            def _():
                nb = lax.rem(nxt, NBUF)

                @pl.when(nxt >= NBUF)
                def _():
                    out_copy(nxt - NBUF, nb).wait()

                gather(nxt, nb).start()

            return carry

        lax.fori_loop(0, rpw, body, 0)

        for i in range(NBUF):
            j = rpw - NBUF + i
            out_copy(j, j % NBUF).wait()

    return k(idx2, table)


def kernel(token_ids, embedding):
    B, L = token_ids.shape
    V, D = embedding.shape
    idx2 = token_ids.astype(jnp.int32)
    b_total = max(-(-B // NUM_WORKERS), NBUF) * NUM_WORKERS
    if b_total != B:
        pad = jnp.zeros((b_total - B, L), jnp.int32)
        idx2 = jnp.concatenate([idx2, pad])
    table2 = lax.optimization_barrier(embedding.reshape(-1)).reshape(V, D)
    out = _sc_embedding_gather(idx2, table2)
    out = lax.optimization_barrier(
        out.reshape(b_total * L * D // 128, 128))
    return out.reshape(b_total, L, D)[:B]

# --- scband reference (transcript-rebuilt; emitter-appended) ---
"""Pipeline reference for scband-embedding-88785563943612 (READ-ONLY COPY).

The authoritative reference and input builder live on the scoring server;
editing this copy changes nothing except your own understanding.
"""

import jax, jax.numpy as jnp
import numpy as np

NUM_EMBEDDINGS = 1000000
EMBEDDING_DIM = 64

def setup_inputs(seed: int = 0) -> dict:
    key = jax.random.key(seed)
    k1, k2 = jax.random.split(key)
    token_ids = jax.random.randint(k1, (16384, 50), 0, NUM_EMBEDDINGS, dtype=jnp.int64 if jax.config.read('jax_enable_x64') else jnp.int32)
    # trunc_normal_(mean=0, std=1, a=-3, b=3)
    embedding = jax.random.truncated_normal(k2, -3.0, 3.0, (NUM_EMBEDDINGS, EMBEDDING_DIM), dtype=jnp.float32)
    return {"token_ids": token_ids, "embedding": embedding}

def reference(token_ids, embedding):
    # Token embedding lookup: out[b, l, :] = embedding[token_ids[b, l], :]
    return jnp.take(embedding, token_ids, axis=0)

if __name__ == "__main__":
    import jax
    _d = setup_inputs()
    print(jax.jit(kernel)(*tuple(_d.values())))

</pallas_src>

<mosaic_0001>
#map = affine_map<(d0, d1) -> (0, 0)>
#map1 = affine_map<(d0, d1) -> (0, 0, 0)>
module attributes {stable_mosaic.version = 14 : i64} {
  func.func @k(%arg0: i32, %arg1: i32, %arg2: memref<16384x50xi32, #tpu.memory_space<hbm>>, %arg3: memref<1000000x64xf32, #tpu.memory_space<hbm>>, %arg4: memref<16384x50x64xf32, #tpu.memory_space<hbm>>, %arg5: memref<512x50xi32, #tpu.memory_space<vmem>>, %arg6: memref<8x50x64xf32, #tpu.memory_space<vmem>>, %arg7: memref<8x!tpu.dma_semaphore, #tpu.memory_space<semaphore_mem>>, %arg8: memref<8x!tpu.dma_semaphore, #tpu.memory_space<semaphore_mem>>, %arg9: memref<!tpu.dma_semaphore, #tpu.memory_space<semaphore_mem>>) attributes {dimension_semantics = [#tpu.dimension_semantics<core_parallel>, #tpu.dimension_semantics<subcore_parallel>], iteration_bounds = array<i64: 2, 16>, scalar_prefetch = 0 : i64, scratch_operands = 5 : i64, tpu.core_type = #tpu.core_type<sc_vector_subcore>, window_params = [{transform_indices = #map}, {transform_indices = #map}, {transform_indices = #map1}]} {
    %mul3A = arith.constant 2 : i32
    %mul3A_0 = arith.muli %arg1, %mul3A : i32
    %add3A = arith.addi %mul3A_0, %arg0 : i32
    %mul3A_1 = arith.constant 512 : i32
    %mul3A_2 = arith.muli %add3A, %mul3A_1 : i32
    %dma_start3A = arith.constant 0 : i32
    %dma_start3A_3 = tpu.memref_slice %arg2[%mul3A_2, %dma_start3A] : memref<16384x50xi32, #tpu.memory_space<hbm>> -> memref<512x50xi32, #tpu.memory_space<hbm>>
    %dma_start3A_4 = arith.constant 0 : i32
    %dma_start3A_5 = tpu.memref_slice %arg2[%mul3A_2, %dma_start3A_4] : memref<16384x50xi32, #tpu.memory_space<hbm>> -> memref<512x50xi32, #tpu.memory_space<hbm>>
    tpu.enqueue_dma source(%dma_start3A_5 : memref<512x50xi32, #tpu.memory_space<hbm>>) target(%arg5 : memref<512x50xi32, #tpu.memory_space<vmem>>) target_semaphore(%arg9 : memref<!tpu.dma_semaphore, #tpu.memory_space<semaphore_mem>>)
    %dma_wait3A = arith.constant 0 : i32
    %dma_wait3A_6 = tpu.memref_slice %arg2[%mul3A_2, %dma_wait3A] : memref<16384x50xi32, #tpu.memory_space<hbm>> -> memref<512x50xi32, #tpu.memory_space<hbm>>
    %dma_wait3A_7 = arith.constant 0 : i32
    %dma_wait3A_8 = tpu.memref_slice %arg2[%mul3A_2, %dma_wait3A_7] : memref<16384x50xi32, #tpu.memory_space<hbm>> -> memref<512x50xi32, #tpu.memory_space<hbm>>
    tpu.wait_dma2 semaphore(%arg9 : memref<!tpu.dma_semaphore, #tpu.memory_space<semaphore_mem>>) src(%dma_wait3A_8 : memref<512x50xi32, #tpu.memory_space<hbm>>) dst(%arg5 : memref<512x50xi32, #tpu.memory_space<vmem>>)
    %dma_start3A_9 = arith.constant 0 : i32
    %dma_start3A_10 = arith.constant 0 : i32
    %dma_start3A_11 = arith.constant 0 : i32
    %dma_start3A_12 = arith.constant 0 : i32
    %dma_start3A_13 = arith.constant 0 : i32
    %dma_start3A_14 = tpu.memref_slice %arg6[%dma_start3A_10, %dma_start3A_12, %dma_start3A_13] : memref<8x50x64xf32, #tpu.memory_space<vmem>> -> memref<1x50x64xf32, #tpu.memory_space<vmem>>
    %dma_start3A_15 = tpu.memref_squeeze %dma_start3A_14 : memref<1x50x64xf32, #tpu.memory_space<vmem>> -> memref<50x64xf32, #tpu.memory_space<vmem>>
    %dma_start3A_16 = arith.constant 0 : i32
    %dma_start3A_17 = tpu.memref_slice %arg5[%dma_start3A_9, %dma_start3A_16] : memref<512x50xi32, #tpu.memory_space<vmem>> -> memref<1x50xi32, #tpu.memory_space<vmem>>
    %dma_start3A_18 = tpu.memref_squeeze %dma_start3A_17 : memref<1x50xi32, #tpu.memory_space<vmem>> -> memref<50xi32, #tpu.memory_space<vmem>>
    %dma_start3A_19 = arith.constant 0 : i32
    %dma_start3A_20 = arith.constant 0 : i32
    %dma_start3A_21 = tpu.memref_slice %arg3[%dma_start3A_19, %dma_start3A_20] : memref<1000000x64xf32, #tpu.memory_space<hbm>> -> memref<1000000x64xf32, #tpu.memory_space<hbm>>
    %dma_start3A_22 = tpu.memref_slice %arg7[%dma_start3A_11] : memref<8x!tpu.dma_semaphore, #tpu.memory_space<semaphore_mem>> -> memref<1x!tpu.dma_semaphore, #tpu.memory_space<semaphore_mem>>
    %dma_start3A_23 = tpu.memref_squeeze %dma_start3A_22 : memref<1x!tpu.dma_semaphore, #tpu.memory_space<semaphore_mem>> -> memref<!tpu.dma_semaphore, #tpu.memory_space<semaphore_mem>>
    tpu.enqueue_indirect_dma source(%dma_start3A_21 : memref<1000000x64xf32, #tpu.memory_space<hbm>>) target(%dma_start3A_15 : memref<50x64xf32, #tpu.memory_space<vmem>>) offsets(%dma_start3A_18 : memref<50xi32, #tpu.memory_space<vmem>>) semaphore(%dma_start3A_23 : memref<!tpu.dma_semaphore, #tpu.memory_space<semaphore_mem>>)
    %dma_start3A_24 = arith.constant 1 : i32
    %dma_start3A_25 = arith.constant 1 : i32
    %dma_start3A_26 = arith.constant 1 : i32
    %dma_start3A_27 = arith.constant 0 : i32
    %dma_start3A_28 = arith.constant 0 : i32
    %dma_start3A_29 = tpu.memref_slice %arg6[%dma_start3A_25, %dma_start3A_27, %dma_start3A_28] : memref<8x50x64xf32, #tpu.memory_space<vmem>> -> memref<1x50x64xf32, #tpu.memory_space<vmem>>
    %dma_start3A_30 = tpu.memref_squeeze %dma_start3A_29 : memref<1x50x64xf32, #tpu.memory_space<vmem>> -> memref<50x64xf32, #tpu.memory_space<vmem>>
    %dma_start3A_31 = arith.constant 0 : i32
    %dma_start3A_32 = tpu.memref_slice %arg5[%dma_start3A_24, %dma_start3A_31] : memref<512x50xi32, #tpu.memory_space<vmem>> -> memref<1x50xi32, #tpu.memory_space<vmem>>
    %dma_start3A_33 = tpu.memref_squeeze %dma_start3A_32 : memref<1x50xi32, #tpu.memory_space<vmem>> -> memref<50xi32, #tpu.memory_space<vmem>>
    %dma_start3A_34 = arith.constant 0 : i32
    %dma_start3A_35 = arith.constant 0 : i32
    %dma_start3A_36 = tpu.memref_slice %arg3[%dma_start3A_34, %dma_start3A_35] : memref<1000000x64xf32, #tpu.memory_space<hbm>> -> memref<1000000x64xf32, #tpu.memory_space<hbm>>
    %dma_start3A_37 = tpu.memref_slice %arg7[%dma_start3A_26] : memref<8x!tpu.dma_semaphore, #tpu.memory_space<semaphore_mem>> -> memref<1x!tpu.dma_semaphore, #tpu.memory_space<semaphore_mem>>
    %dma_start3A_38 = tpu.memref_squeeze %dma_start3A_37 : memref<1x!tpu.dma_semaphore, #tpu.memory_space<semaphore_mem>> -> memref<!tpu.dma_semaphore, #tpu.memory_space<semaphore_mem>>
    tpu.enqueue_indirect_dma source(%dma_start3A_36 : memref<1000000x64xf32, #tpu.memory_space<hbm>>) target(%dma_start3A_30 : memref<50x64xf32, #tpu.memory_space<vmem>>) offsets(%dma_start3A_33 : memref<50xi32, #tpu.memory_space<vmem>>) semaphore(%dma_start3A_38 : memref<!tpu.dma_semaphore, #tpu.memory_space<semaphore_mem>>)
    %dma_start3A_39 = arith.constant 2 : i32
    %dma_start3A_40 = arith.constant 2 : i32
    %dma_start3A_41 = arith.constant 2 : i32
    %dma_start3A_42 = arith.constant 0 : i32
    %dma_start3A_43 = arith.constant 0 : i32
    %dma_start3A_44 = tpu.memref_slice %arg6[%dma_start3A_40, %dma_start3A_42, %dma_start3A_43] : memref<8x50x64xf32, #tpu.memory_space<vmem>> -> memref<1x50x64xf32, #tpu.memory_space<vmem>>
    %dma_start3A_45 = tpu.memref_squeeze %dma_start3A_44 : memref<1x50x64xf32, #tpu.memory_space<vmem>> -> memref<50x64xf32, #tpu.memory_space<vmem>>
    %dma_start3A_46 = arith.constant 0 : i32
    %dma_start3A_47 = tpu.memref_slice %arg5[%dma_start3A_39, %dma_start3A_46] : memref<512x50xi32, #tpu.memory_space<vmem>> -> memref<1x50xi32, #tpu.memory_space<vmem>>
    %dma_start3A_48 = tpu.memref_squeeze %dma_start3A_47 : memref<1x50xi32, #tpu.memory_space<vmem>> -> memref<50xi32, #tpu.memory_space<vmem>>
    %dma_start3A_49 = arith.constant 0 : i32
    %dma_start3A_50 = arith.constant 0 : i32
    %dma_start3A_51 = tpu.memref_slice %arg3[%dma_start3A_49, %dma_start3A_50] : memref<1000000x64xf32, #tpu.memory_space<hbm>> -> memref<1000000x64xf32, #tpu.memory_space<hbm>>
    %dma_start3A_52 = tpu.memref_slice %arg7[%dma_start3A_41] : memref<8x!tpu.dma_semaphore, #tpu.memory_space<semaphore_mem>> -> memref<1x!tpu.dma_semaphore, #tpu.memory_space<semaphore_mem>>
    %dma_start3A_53 = tpu.memref_squeeze %dma_start3A_52 : memref<1x!tpu.dma_semaphore, #tpu.memory_space<semaphore_mem>> -> memref<!tpu.dma_semaphore, #tpu.memory_space<semaphore_mem>>
    tpu.enqueue_indirect_dma source(%dma_start3A_51 : memref<1000000x64xf32, #tpu.memory_space<hbm>>) target(%dma_start3A_45 : memref<50x64xf32, #tpu.memory_space<vmem>>) offsets(%dma_start3A_48 : memref<50xi32, #tpu.memory_space<vmem>>) semaphore(%dma_start3A_53 : memref<!tpu.dma_semaphore, #tpu.memory_space<semaphore_mem>>)
    %dma_start3A_54 = arith.constant 3 : i32
    %dma_start3A_55 = arith.constant 3 : i32
    %dma_start3A_56 = arith.constant 3 : i32
    %dma_start3A_57 = arith.constant 0 : i32
    %dma_start3A_58 = arith.constant 0 : i32
    %dma_start3A_59 = tpu.memref_slice %arg6[%dma_start3A_55, %dma_start3A_57, %dma_start3A_58] : memref<8x50x64xf32, #tpu.memory_space<vmem>> -> memref<1x50x64xf32, #tpu.memory_space<vmem>>
    %dma_start3A_60 = tpu.memref_squeeze %dma_start3A_59 : memref<1x50x64xf32, #tpu.memory_space<vmem>> -> memref<50x64xf32, #tpu.memory_space<vmem>>
    %dma_start3A_61 = arith.constant 0 : i32
    %dma_start3A_62 = tpu.memref_slice %arg5[%dma_start3A_54, %dma_start3A_61] : memref<512x50xi32, #tpu.memory_space<vmem>> -> memref<1x50xi32, #tpu.memory_space<vmem>>
    %dma_start3A_63 = tpu.memref_squeeze %dma_start3A_62 : memref<1x50xi32, #tpu.memory_space<vmem>> -> memref<50xi32, #tpu.memory_space<vmem>>
    %dma_start3A_64 = arith.constant 0 : i32
    %dma_start3A_65 = arith.constant 0 : i32
    %dma_start3A_66 = tpu.memref_slice %arg3[%dma_start3A_64, %dma_start3A_65] : memref<1000000x64xf32, #tpu.memory_space<hbm>> -> memref<1000000x64xf32, #tpu.memory_space<hbm>>
    %dma_start3A_67 = tpu.memref_slice %arg7[%dma_start3A_56] : memref<8x!tpu.dma_semaphore, #tpu.memory_space<semaphore_mem>> -> memref<1x!tpu.dma_semaphore, #tpu.memory_space<semaphore_mem>>
    %dma_start3A_68 = tpu.memref_squeeze %dma_start3A_67 : memref<1x!tpu.dma_semaphore, #tpu.memory_space<semaphore_mem>> -> memref<!tpu.dma_semaphore, #tpu.memory_space<semaphore_mem>>
    tpu.enqueue_indirect_dma source(%dma_start3A_66 : memref<1000000x64xf32, #tpu.memory_space<hbm>>) target(%dma_start3A_60 : memref<50x64xf32, #tpu.memory_space<vmem>>) offsets(%dma_start3A_63 : memref<50xi32, #tpu.memory_space<vmem>>) semaphore(%dma_start3A_68 : memref<!tpu.dma_semaphore, #tpu.memory_space<semaphore_mem>>)
    %dma_start3A_69 = arith.constant 4 : i32
    %dma_start3A_70 = arith.constant 4 : i32
    %dma_start3A_71 = arith.constant 4 : i32
    %dma_start3A_72 = arith.constant 0 : i32
    %dma_start3A_73 = arith.constant 0 : i32
    %dma_start3A_74 = tpu.memref_slice %arg6[%dma_start3A_70, %dma_start3A_72, %dma_start3A_73] : memref<8x50x64xf32, #tpu.memory_space<vmem>> -> memref<1x50x64xf32, #tpu.memory_space<vmem>>
    %dma_start3A_75 = tpu.memref_squeeze %dma_start3A_74 : memref<1x50x64xf32, #tpu.memory_space<vmem>> -> memref<50x64xf32, #tpu.memory_space<vmem>>
    %dma_start3A_76 = arith.constant 0 : i32
    %dma_start3A_77 = tpu.memref_slice %arg5[%dma_start3A_69, %dma_start3A_76] : memref<512x50xi32, #tpu.memory_space<vmem>> -> memref<1x50xi32, #tpu.memory_space<vmem>>
    %dma_start3A_78 = tpu.memref_squeeze %dma_start3A_77 : memref<1x50xi32, #tpu.memory_space<vmem>> -> memref<50xi32, #tpu.memory_space<vmem>>
    %dma_start3A_79 = arith.constant 0 : i32
    %dma_start3A_80 = arith.constant 0 : i32
    %dma_start3A_81 = tpu.memref_slice %arg3[%dma_start3A_79, %dma_start3A_80] : memref<1000000x64xf32, #tpu.memory_space<hbm>> -> memref<1000000x64xf32, #tpu.memory_space<hbm>>
    %dma_start3A_82 = tpu.memref_slice %arg7[%dma_start3A_71] : memref<8x!tpu.dma_semaphore, #tpu.memory_space<semaphore_mem>> -> memref<1x!tpu.dma_semaphore, #tpu.memory_space<semaphore_mem>>
    %dma_start3A_83 = tpu.memref_squeeze %dma_start3A_82 : memref<1x!tpu.dma_semaphore, #tpu.memory_space<semaphore_mem>> -> memref<!tpu.dma_semaphore, #tpu.memory_space<semaphore_mem>>
    tpu.enqueue_indirect_dma source(%dma_start3A_81 : memref<1000000x64xf32, #tpu.memory_space<hbm>>) target(%dma_start3A_75 : memref<50x64xf32, #tpu.memory_space<vmem>>) offsets(%dma_start3A_78 : memref<50xi32, #tpu.memory_space<vmem>>) semaphore(%dma_start3A_83 : memref<!tpu.dma_semaphore, #tpu.memory_space<semaphore_mem>>)
    %dma_start3A_84 = arith.constant 5 : i32
    %dma_start3A_85 = arith.constant 5 : i32
    %dma_start3A_86 = arith.constant 5 : i32
    %dma_start3A_87 = arith.constant 0 : i32
    %dma_start3A_88 = arith.constant 0 : i32
    %dma_start3A_89 = tpu.memref_slice %arg6[%dma_start3A_85, %dma_start3A_87, %dma_start3A_88] : memref<8x50x64xf32, #tpu.memory_space<vmem>> -> memref<1x50x64xf32, #tpu.memory_space<vmem>>
    %dma_start3A_90 = tpu.memref_squeeze %dma_start3A_89 : memref<1x50x64xf32, #tpu.memory_space<vmem>> -> memref<50x64xf32, #tpu.memory_space<vmem>>
    %dma_start3A_91 = arith.constant 0 : i32
    %dma_start3A_92 = tpu.memref_slice %arg5[%dma_start3A_84, %dma_start3A_91] : memref<512x50xi32, #tpu.memory_space<vmem>> -> memref<1x50xi32, #tpu.memory_space<vmem>>
    %dma_start3A_93 = tpu.memref_squeeze %dma_start3A_92 : memref<1x50xi32, #tpu.memory_space<vmem>> -> memref<50xi32, #tpu.memory_space<vmem>>
    %dma_start3A_94 = arith.constant 0 : i32
    %dma_start3A_95 = arith.constant 0 : i32
    %dma_start3A_96 = tpu.memref_slice %arg3[%dma_start3A_94, %dma_start3A_95] : memref<1000000x64xf32, #tpu.memory_space<hbm>> -> memref<1000000x64xf32, #tpu.memory_space<hbm>>
    %dma_start3A_97 = tpu.memref_slice %arg7[%dma_start3A_86] : memref<8x!tpu.dma_semaphore, #tpu.memory_space<semaphore_mem>> -> memref<1x!tpu.dma_semaphore, #tpu.memory_space<semaphore_mem>>
    %dma_start3A_98 = tpu.memref_squeeze %dma_start3A_97 : memref<1x!tpu.dma_semaphore, #tpu.memory_space<semaphore_mem>> -> memref<!tpu.dma_semaphore, #tpu.memory_space<semaphore_mem>>
    tpu.enqueue_indirect_dma source(%dma_start3A_96 : memref<1000000x64xf32, #tpu.memory_space<hbm>>) target(%dma_start3A_90 : memref<50x64xf32, #tpu.memory_space<vmem>>) offsets(%dma_start3A_93 : memref<50xi32, #tpu.memory_space<vmem>>) semaphore(%dma_start3A_98 : memref<!tpu.dma_semaphore, #tpu.memory_space<semaphore_mem>>)
    %scan3A = arith.constant 0 : i32
    %scan3A_99 = arith.constant 0 : i32
    %scan3A_100 = arith.constant 512 : i32
    %scan3A_101 = arith.addi %scan3A_99, %scan3A_100 : i32
    %scan3A_102 = arith.constant 1 : i32
    scf.for %scan3A_280 = %scan3A_99 to %scan3A_101 step %scan3A_102  : i32 {
      %rem3A = arith.constant 8 : i32
      %rem3A_281 = arith.remsi %scan3A_280, %rem3A : i32
      %dma_wait3A_282 = arith.constant 0 : i32
      %dma_wait3A_283 = arith.constant 0 : i32
      %dma_wait3A_284 = tpu.memref_slice %arg6[%rem3A_281, %dma_wait3A_282, %dma_wait3A_283] : memref<8x50x64xf32, #tpu.memory_space<vmem>> -> memref<1x50x64xf32, #tpu.memory_space<vmem>>
      %dma_wait3A_285 = tpu.memref_squeeze %dma_wait3A_284 : memref<1x50x64xf32, #tpu.memory_space<vmem>> -> memref<50x64xf32, #tpu.memory_space<vmem>>
      %dma_wait3A_286 = arith.constant 0 : i32
      %dma_wait3A_287 = tpu.memref_slice %arg5[%scan3A_280, %dma_wait3A_286] : memref<512x50xi32, #tpu.memory_space<vmem>> -> memref<1x50xi32, #tpu.memory_space<vmem>>
      %dma_wait3A_288 = tpu.memref_squeeze %dma_wait3A_287 : memref<1x50xi32, #tpu.memory_space<vmem>> -> memref<50xi32, #tpu.memory_space<vmem>>
      %dma_wait3A_289 = arith.constant 0 : i32
      %dma_wait3A_290 = arith.constant 0 : i32
      %dma_wait3A_291 = tpu.memref_slice %arg3[%dma_wait3A_289, %dma_wait3A_290] : memref<1000000x64xf32, #tpu.memory_space<hbm>> -> memref<1000000x64xf32, #tpu.memory_space<hbm>>
      %dma_wait3A_292 = tpu.memref_slice %arg7[%rem3A_281] : memref<8x!tpu.dma_semaphore, #tpu.memory_space<semaphore_mem>> -> memref<1x!tpu.dma_semaphore, #tpu.memory_space<semaphore_mem>>
      %dma_wait3A_293 = tpu.memref_squeeze %dma_wait3A_292 : memref<1x!tpu.dma_semaphore, #tpu.memory_space<semaphore_mem>> -> memref<!tpu.dma_semaphore, #tpu.memory_space<semaphore_mem>>
      tpu.wait_indirect_dma semaphore(%dma_wait3A_293 : memref<!tpu.dma_semaphore, #tpu.memory_space<semaphore_mem>>) src(%dma_wait3A_291 : memref<1000000x64xf32, #tpu.memory_space<hbm>>) dst(%dma_wait3A_285 : memref<50x64xf32, #tpu.memory_space<vmem>>)
      %add3A_294 = arith.addi %mul3A_2, %scan3A_280 : i32
      %dma_start3A_295 = arith.constant 0 : i32
      %dma_start3A_296 = arith.constant 0 : i32
      %dma_start3A_297 = tpu.memref_slice %arg6[%rem3A_281, %dma_start3A_295, %dma_start3A_296] : memref<8x50x64xf32, #tpu.memory_space<vmem>> -> memref<1x50x64xf32, #tpu.memory_space<vmem>>
      %dma_start3A_298 = tpu.memref_squeeze %dma_start3A_297 : memref<1x50x64xf32, #tpu.memory_space<vmem>> -> memref<50x64xf32, #tpu.memory_space<vmem>>
      %dma_start3A_299 = arith.constant 0 : i32
      %dma_start3A_300 = arith.constant 0 : i32
      %dma_start3A_301 = tpu.memref_slice %arg4[%add3A_294, %dma_start3A_299, %dma_start3A_300] : memref<16384x50x64xf32, #tpu.memory_space<hbm>> -> memref<1x50x64xf32, #tpu.memory_space<hbm>>
      %dma_start3A_302 = tpu.memref_squeeze %dma_start3A_301 : memref<1x50x64xf32, #tpu.memory_space<hbm>> -> memref<50x64xf32, #tpu.memory_space<hbm>>
      %dma_start3A_303 = tpu.memref_slice %arg8[%rem3A_281] : memref<8x!tpu.dma_semaphore, #tpu.memory_space<semaphore_mem>> -> memref<1x!tpu.dma_semaphore, #tpu.memory_space<semaphore_mem>>
      %dma_start3A_304 = tpu.memref_squeeze %dma_start3A_303 : memref<1x!tpu.dma_semaphore, #tpu.memory_space<semaphore_mem>> -> memref<!tpu.dma_semaphore, #tpu.memory_space<semaphore_mem>>
      %dma_start3A_305 = arith.constant 0 : i32
      %dma_start3A_306 = arith.constant 0 : i32
      %dma_start3A_307 = tpu.memref_slice %arg4[%add3A_294, %dma_start3A_305, %dma_start3A_306] : memref<16384x50x64xf32, #tpu.memory_space<hbm>> -> memref<1x50x64xf32, #tpu.memory_space<hbm>>
      %dma_start3A_308 = tpu.memref_squeeze %dma_start3A_307 : memref<1x50x64xf32, #tpu.memory_space<hbm>> -> memref<50x64xf32, #tpu.memory_space<hbm>>
      %dma_start3A_309 = arith.constant 0 : i32
      %dma_start3A_310 = arith.constant 0 : i32
      %dma_start3A_311 = tpu.memref_slice %arg6[%rem3A_281, %dma_start3A_309, %dma_start3A_310] : memref<8x50x64xf32, #tpu.memory_space<vmem>> -> memref<1x50x64xf32, #tpu.memory_space<vmem>>
      %dma_start3A_312 = tpu.memref_squeeze %dma_start3A_311 : memref<1x50x64xf32, #tpu.memory_space<vmem>> -> memref<50x64xf32, #tpu.memory_space<vmem>>
      tpu.enqueue_dma source(%dma_start3A_312 : memref<50x64xf32, #tpu.memory_space<vmem>>) target(%dma_start3A_308 : memref<50x64xf32, #tpu.memory_space<hbm>>) target_semaphore(%dma_start3A_304 : memref<!tpu.dma_semaphore, #tpu.memory_space<semaphore_mem>>)
      %add3A_313 = arith.constant 6 : i32
      %add3A_314 = arith.addi %scan3A_280, %add3A_313 : i32
      %lt3A = arith.constant 512 : i32
      %lt3A_315 = arith.cmpi slt, %add3A_314, %lt3A : i32
      %convert_element_type3A = arith.extui %lt3A_315 : i1 to i32
      %cond3A = arith.constant 0 : i32
      %cond3A_316 = arith.cmpi ne, %convert_element_type3A, %cond3A : i32
      scf.if %cond3A_316 {
        %rem3A_317 = arith.constant 8 : i32
        %rem3A_318 = arith.remsi %add3A_314, %rem3A_317 : i32
        %ge3A = arith.constant 8 : i32
        %ge3A_319 = arith.cmpi sge, %add3A_314, %ge3A : i32
        %convert_element_type3A_320 = arith.extui %ge3A_319 : i1 to i32
        %cond3A_321 = arith.constant 0 : i32
        %cond3A_322 = arith.cmpi ne, %convert_element_type3A_320, %cond3A_321 : i32
        scf.if %cond3A_322 {
          %sub3A = arith.constant 8 : i32
          %sub3A_335 = arith.subi %add3A_314, %sub3A : i32
          %add3A_336 = arith.addi %mul3A_2, %sub3A_335 : i32
          %dma_wait3A_337 = arith.constant 0 : i32
          %dma_wait3A_338 = arith.constant 0 : i32
          %dma_wait3A_339 = tpu.memref_slice %arg6[%rem3A_318, %dma_wait3A_337, %dma_wait3A_338] : memref<8x50x64xf32, #tpu.memory_space<vmem>> -> memref<1x50x64xf32, #tpu.memory_space<vmem>>
          %dma_wait3A_340 = tpu.memref_squeeze %dma_wait3A_339 : memref<1x50x64xf32, #tpu.memory_space<vmem>> -> memref<50x64xf32, #tpu.memory_space<vmem>>
          %dma_wait3A_341 = arith.constant 0 : i32
          %dma_wait3A_342 = arith.constant 0 : i32
          %dma_wait3A_343 = tpu.memref_slice %arg4[%add3A_336, %dma_wait3A_341, %dma_wait3A_342] : memref<16384x50x64xf32, #tpu.memory_space<hbm>> -> memref<1x50x64xf32, #tpu.memory_space<hbm>>
          %dma_wait3A_344 = tpu.memref_squeeze %dma_wait3A_343 : memref<1x50x64xf32, #tpu.memory_space<hbm>> -> memref<50x64xf32, #tpu.memory_space<hbm>>
          %dma_wait3A_345 = tpu.memref_slice %arg8[%rem3A_318] : memref<8x!tpu.dma_semaphore, #tpu.memory_space<semaphore_mem>> -> memref<1x!tpu.dma_semaphore, #tpu.memory_space<semaphore_mem>>
          %dma_wait3A_346 = tpu.memref_squeeze %dma_wait3A_345 : memref<1x!tpu.dma_semaphore, #tpu.memory_space<semaphore_mem>> -> memref<!tpu.dma_semaphore, #tpu.memory_space<semaphore_mem>>
          %dma_wait3A_347 = arith.constant 0 : i32
          %dma_wait3A_348 = arith.constant 0 : i32
          %dma_wait3A_349 = tpu.memref_slice %arg4[%add3A_336, %dma_wait3A_347, %dma_wait3A_348] : memref<16384x50x64xf32, #tpu.memory_space<hbm>> -> memref<1x50x64xf32, #tpu.memory_space<hbm>>
          %dma_wait3A_350 = tpu.memref_squeeze %dma_wait3A_349 : memref<1x50x64xf32, #tpu.memory_space<hbm>> -> memref<50x64xf32, #tpu.memory_space<hbm>>
          %dma_wait3A_351 = arith.constant 0 : i32
          %dma_wait3A_352 = arith.constant 0 : i32
          %dma_wait3A_353 = tpu.memref_slice %arg6[%rem3A_318, %dma_wait3A_351, %dma_wait3A_352] : memref<8x50x64xf32, #tpu.memory_space<vmem>> -> memref<1x50x64xf32, #tpu.memory_space<vmem>>
          %dma_wait3A_354 = tpu.memref_squeeze %dma_wait3A_353 : memref<1x50x64xf32, #tpu.memory_space<vmem>> -> memref<50x64xf32, #tpu.memory_space<vmem>>
          tpu.wait_dma2 semaphore(%dma_wait3A_346 : memref<!tpu.dma_semaphore, #tpu.memory_space<semaphore_mem>>) src(%dma_wait3A_354 : memref<50x64xf32, #tpu.memory_space<vmem>>) dst(%dma_wait3A_350 : memref<50x64xf32, #tpu.memory_space<hbm>>)
        } else {
        }
        %dma_start3A_323 = arith.constant 0 : i32
        %dma_start3A_324 = arith.constant 0 : i32
        %dma_start3A_325 = tpu.memref_slice %arg6[%rem3A_318, %dma_start3A_323, %dma_start3A_324] : memref<8x50x64xf32, #tpu.memory_space<vmem>> -> memref<1x50x64xf32, #tpu.memory_space<vmem>>
        %dma_start3A_326 = tpu.memref_squeeze %dma_start3A_325 : memref<1x50x64xf32, #tpu.memory_space<vmem>> -> memref<50x64xf32, #tpu.memory_space<vmem>>
        %dma_start3A_327 = arith.constant 0 : i32
        %dma_start3A_328 = tpu.memref_slice %arg5[%add3A_314, %dma_start3A_327] : memref<512x50xi32, #tpu.memory_space<vmem>> -> memref<1x50xi32, #tpu.memory_space<vmem>>
        %dma_start3A_329 = tpu.memref_squeeze %dma_start3A_328 : memref<1x50xi32, #tpu.memory_space<vmem>> -> memref<50xi32, #tpu.memory_space<vmem>>
        %dma_start3A_330 = arith.constant 0 : i32
        %dma_start3A_331 = arith.constant 0 : i32
        %dma_start3A_332 = tpu.memref_slice %arg3[%dma_start3A_330, %dma_start3A_331] : memref<1000000x64xf32, #tpu.memory_space<hbm>> -> memref<1000000x64xf32, #tpu.memory_space<hbm>>
        %dma_start3A_333 = tpu.memref_slice %arg7[%rem3A_318] : memref<8x!tpu.dma_semaphore, #tpu.memory_space<semaphore_mem>> -> memref<1x!tpu.dma_semaphore, #tpu.memory_space<semaphore_mem>>
        %dma_start3A_334 = tpu.memref_squeeze %dma_start3A_333 : memref<1x!tpu.dma_semaphore, #tpu.memory_space<semaphore_mem>> -> memref<!tpu.dma_semaphore, #tpu.memory_space<semaphore_mem>>
        tpu.enqueue_indirect_dma source(%dma_start3A_332 : memref<1000000x64xf32, #tpu.memory_space<hbm>>) target(%dma_start3A_326 : memref<50x64xf32, #tpu.memory_space<vmem>>) offsets(%dma_start3A_329 : memref<50xi32, #tpu.memory_space<vmem>>) semaphore(%dma_start3A_334 : memref<!tpu.dma_semaphore, #tpu.memory_space<semaphore_mem>>)
      } else {
      }
    }
    %scan3A_103 = arith.constant 512 : i32
    %add3A_104 = arith.constant 504 : i32
    %add3A_105 = arith.addi %mul3A_2, %add3A_104 : i32
    %dma_wait3A_106 = arith.constant 0 : i32
    %dma_wait3A_107 = arith.constant 0 : i32
    %dma_wait3A_108 = arith.constant 0 : i32
    %dma_wait3A_109 = arith.constant 0 : i32
    %dma_wait3A_110 = tpu.memref_slice %arg6[%dma_wait3A_106, %dma_wait3A_108, %dma_wait3A_109] : memref<8x50x64xf32, #tpu.memory_space<vmem>> -> memref<1x50x64xf32, #tpu.memory_space<vmem>>
    %dma_wait3A_111 = tpu.memref_squeeze %dma_wait3A_110 : memref<1x50x64xf32, #tpu.memory_space<vmem>> -> memref<50x64xf32, #tpu.memory_space<vmem>>
    %dma_wait3A_112 = arith.constant 0 : i32
    %dma_wait3A_113 = arith.constant 0 : i32
    %dma_wait3A_114 = tpu.memref_slice %arg4[%add3A_105, %dma_wait3A_112, %dma_wait3A_113] : memref<16384x50x64xf32, #tpu.memory_space<hbm>> -> memref<1x50x64xf32, #tpu.memory_space<hbm>>
    %dma_wait3A_115 = tpu.memref_squeeze %dma_wait3A_114 : memref<1x50x64xf32, #tpu.memory_space<hbm>> -> memref<50x64xf32, #tpu.memory_space<hbm>>
    %dma_wait3A_116 = tpu.memref_slice %arg8[%dma_wait3A_107] : memref<8x!tpu.dma_semaphore, #tpu.memory_space<semaphore_mem>> -> memref<1x!tpu.dma_semaphore, #tpu.memory_space<semaphore_mem>>
    %dma_wait3A_117 = tpu.memref_squeeze %dma_wait3A_116 : memref<1x!tpu.dma_semaphore, #tpu.memory_space<semaphore_mem>> -> memref<!tpu.dma_semaphore, #tpu.memory_space<semaphore_mem>>
    %dma_wait3A_118 = arith.constant 0 : i32
    %dma_wait3A_119 = arith.constant 0 : i32
    %dma_wait3A_120 = tpu.memref_slice %arg4[%add3A_105, %dma_wait3A_118, %dma_wait3A_119] : memref<16384x50x64xf32, #tpu.memory_space<hbm>> -> memref<1x50x64xf32, #tpu.memory_space<hbm>>
    %dma_wait3A_121 = tpu.memref_squeeze %dma_wait3A_120 : memref<1x50x64xf32, #tpu.memory_space<hbm>> -> memref<50x64xf32, #tpu.memory_space<hbm>>
    %dma_wait3A_122 = arith.constant 0 : i32
    %dma_wait3A_123 = arith.constant 0 : i32
    %dma_wait3A_124 = tpu.memref_slice %arg6[%dma_wait3A_106, %dma_wait3A_122, %dma_wait3A_123] : memref<8x50x64xf32, #tpu.memory_space<vmem>> -> memref<1x50x64xf32, #tpu.memory_space<vmem>>
    %dma_wait3A_125 = tpu.memref_squeeze %dma_wait3A_124 : memref<1x50x64xf32, #tpu.memory_space<vmem>> -> memref<50x64xf32, #tpu.memory_space<vmem>>
    tpu.wait_dma2 semaphore(%dma_wait3A_117 : memref<!tpu.dma_semaphore, #tpu.memory_space<semaphore_mem>>) src(%dma_wait3A_125 : memref<50x64xf32, #tpu.memory_space<vmem>>) dst(%dma_wait3A_121 : memref<50x64xf32, #tpu.memory_space<hbm>>)
    %add3A_126 = arith.constant 505 : i32
    %add3A_127 = arith.addi %mul3A_2, %add3A_126 : i32
    %dma_wait3A_128 = arith.constant 1 : i32
    %dma_wait3A_129 = arith.constant 1 : i32
    %dma_wait3A_130 = arith.constant 0 : i32
    %dma_wait3A_131 = arith.constant 0 : i32
    %dma_wait3A_132 = tpu.memref_slice %arg6[%dma_wait3A_128, %dma_wait3A_130, %dma_wait3A_131] : memref<8x50x64xf32, #tpu.memory_space<vmem>> -> memref<1x50x64xf32, #tpu.memory_space<vmem>>
    %dma_wait3A_133 = tpu.memref_squeeze %dma_wait3A_132 : memref<1x50x64xf32, #tpu.memory_space<vmem>> -> memref<50x64xf32, #tpu.memory_space<vmem>>
    %dma_wait3A_134 = arith.constant 0 : i32
    %dma_wait3A_135 = arith.constant 0 : i32
    %dma_wait3A_136 = tpu.memref_slice %arg4[%add3A_127, %dma_wait3A_134, %dma_wait3A_135] : memref<16384x50x64xf32, #tpu.memory_space<hbm>> -> memref<1x50x64xf32, #tpu.memory_space<hbm>>
    %dma_wait3A_137 = tpu.memref_squeeze %dma_wait3A_136 : memref<1x50x64xf32, #tpu.memory_space<hbm>> -> memref<50x64xf32, #tpu.memory_space<hbm>>
    %dma_wait3A_138 = tpu.memref_slice %arg8[%dma_wait3A_129] : memref<8x!tpu.dma_semaphore, #tpu.memory_space<semaphore_mem>> -> memref<1x!tpu.dma_semaphore, #tpu.memory_space<semaphore_mem>>
    %dma_wait3A_139 = tpu.memref_squeeze %dma_wait3A_138 : memref<1x!tpu.dma_semaphore, #tpu.memory_space<semaphore_mem>> -> memref<!tpu.dma_semaphore, #tpu.memory_space<semaphore_mem>>
    %dma_wait3A_140 = arith.constant 0 : i32
    %dma_wait3A_141 = arith.constant 0 : i32
    %dma_wait3A_142 = tpu.memref_slice %arg4[%add3A_127, %dma_wait3A_140, %dma_wait3A_141] : memref<16384x50x64xf32, #tpu.memory_space<hbm>> -> memref<1x50x64xf32, #tpu.memory_space<hbm>>
    %dma_wait3A_143 = tpu.memref_squeeze %dma_wait3A_142 : memref<1x50x64xf32, #tpu.memory_space<hbm>> -> memref<50x64xf32, #tpu.memory_space<hbm>>
    %dma_wait3A_144 = arith.constant 0 : i32
    %dma_wait3A_145 = arith.constant 0 : i32
    %dma_wait3A_146 = tpu.memref_slice %arg6[%dma_wait3A_128, %dma_wait3A_144, %dma_wait3A_145] : memref<8x50x64xf32, #tpu.memory_space<vmem>> -> memref<1x50x64xf32, #tpu.memory_space<vmem>>
    %dma_wait3A_147 = tpu.memref_squeeze %dma_wait3A_146 : memref<1x50x64xf32, #tpu.memory_space<vmem>> -> memref<50x64xf32, #tpu.memory_space<vmem>>
    tpu.wait_dma2 semaphore(%dma_wait3A_139 : memref<!tpu.dma_semaphore, #tpu.memory_space<semaphore_mem>>) src(%dma_wait3A_147 : memref<50x64xf32, #tpu.memory_space<vmem>>) dst(%dma_wait3A_143 : memref<50x64xf32, #tpu.memory_space<hbm>>)
    %add3A_148 = arith.constant 506 : i32
    %add3A_149 = arith.addi %mul3A_2, %add3A_148 : i32
    %dma_wait3A_150 = arith.constant 2 : i32
    %dma_wait3A_151 = arith.constant 2 : i32
    %dma_wait3A_152 = arith.constant 0 : i32
    %dma_wait3A_153 = arith.constant 0 : i32
    %dma_wait3A_154 = tpu.memref_slice %arg6[%dma_wait3A_150, %dma_wait3A_152, %dma_wait3A_153] : memref<8x50x64xf32, #tpu.memory_space<vmem>> -> memref<1x50x64xf32, #tpu.memory_space<vmem>>
    %dma_wait3A_155 = tpu.memref_squeeze %dma_wait3A_154 : memref<1x50x64xf32, #tpu.memory_space<vmem>> -> memref<50x64xf32, #tpu.memory_space<vmem>>
    %dma_wait3A_156 = arith.constant 0 : i32
    %dma_wait3A_157 = arith.constant 0 : i32
    %dma_wait3A_158 = tpu.memref_slice %arg4[%add3A_149, %dma_wait3A_156, %dma_wait3A_157] : memref<16384x50x64xf32, #tpu.memory_space<hbm>> -> memref<1x50x64xf32, #tpu.memory_space<hbm>>
    %dma_wait3A_159 = tpu.memref_squeeze %dma_wait3A_158 : memref<1x50x64xf32, #tpu.memory_space<hbm>> -> memref<50x64xf32, #tpu.memory_space<hbm>>
    %dma_wait3A_160 = tpu.memref_slice %arg8[%dma_wait3A_151] : memref<8x!tpu.dma_semaphore, #tpu.memory_space<semaphore_mem>> -> memref<1x!tpu.dma_semaphore, #tpu.memory_space<semaphore_mem>>
    %dma_wait3A_161 = tpu.memref_squeeze %dma_wait3A_160 : memref<1x!tpu.dma_semaphore, #tpu.memory_space<semaphore_mem>> -> memref<!tpu.dma_semaphore, #tpu.memory_space<semaphore_mem>>
    %dma_wait3A_162 = arith.constant 0 : i32
    %dma_wait3A_163 = arith.constant 0 : i32
    %dma_wait3A_164 = tpu.memref_slice %arg4[%add3A_149, %dma_wait3A_162, %dma_wait3A_163] : memref<16384x50x64xf32, #tpu.memory_space<hbm>> -> memref<1x50x64xf32, #tpu.memory_space<hbm>>
    %dma_wait3A_165 = tpu.memref_squeeze %dma_wait3A_164 : memref<1x50x64xf32, #tpu.memory_space<hbm>> -> memref<50x64xf32, #tpu.memory_space<hbm>>
    %dma_wait3A_166 = arith.constant 0 : i32
    %dma_wait3A_167 = arith.constant 0 : i32
    %dma_wait3A_168 = tpu.memref_slice %arg6[%dma_wait3A_150, %dma_wait3A_166, %dma_wait3A_167] : memref<8x50x64xf32, #tpu.memory_space<vmem>> -> memref<1x50x64xf32, #tpu.memory_space<vmem>>
    %dma_wait3A_169 = tpu.memref_squeeze %dma_wait3A_168 : memref<1x50x64xf32, #tpu.memory_space<vmem>> -> memref<50x64xf32, #tpu.memory_space<vmem>>
    tpu.wait_dma2 semaphore(%dma_wait3A_161 : memref<!tpu.dma_semaphore, #tpu.memory_space<semaphore_mem>>) src(%dma_wait3A_169 : memref<50x64xf32, #tpu.memory_space<vmem>>) dst(%dma_wait3A_165 : memref<50x64xf32, #tpu.memory_space<hbm>>)
    %add3A_170 = arith.constant 507 : i32
    %add3A_171 = arith.addi %mul3A_2, %add3A_170 : i32
    %dma_wait3A_172 = arith.constant 3 : i32
    %dma_wait3A_173 = arith.constant 3 : i32
    %dma_wait3A_174 = arith.constant 0 : i32
    %dma_wait3A_175 = arith.constant 0 : i32
    %dma_wait3A_176 = tpu.memref_slice %arg6[%dma_wait3A_172, %dma_wait3A_174, %dma_wait3A_175] : memref<8x50x64xf32, #tpu.memory_space<vmem>> -> memref<1x50x64xf32, #tpu.memory_space<vmem>>
    %dma_wait3A_177 = tpu.memref_squeeze %dma_wait3A_176 : memref<1x50x64xf32, #tpu.memory_space<vmem>> -> memref<50x64xf32, #tpu.memory_space<vmem>>
    %dma_wait3A_178 = arith.constant 0 : i32
    %dma_wait3A_179 = arith.constant 0 : i32
    %dma_wait3A_180 = tpu.memref_slice %arg4[%add3A_171, %dma_wait3A_178, %dma_wait3A_179] : memref<16384x50x64xf32, #tpu.memory_space<hbm>> -> memref<1x50x64xf32, #tpu.memory_space<hbm>>
    %dma_wait3A_181 = tpu.memref_squeeze %dma_wait3A_180 : memref<1x50x64xf32, #tpu.memory_space<hbm>> -> memref<50x64xf32, #tpu.memory_space<hbm>>
    %dma_wait3A_182 = tpu.memref_slice %arg8[%dma_wait3A_173] : memref<8x!tpu.dma_semaphore, #tpu.memory_space<semaphore_mem>> -> memref<1x!tpu.dma_semaphore, #tpu.memory_space<semaphore_mem>>
    %dma_wait3A_183 = tpu.memref_squeeze %dma_wait3A_182 : memref<1x!tpu.dma_semaphore, #tpu.memory_space<semaphore_mem>> -> memref<!tpu.dma_semaphore, #tpu.memory_space<semaphore_mem>>
    %dma_wait3A_184 = arith.constant 0 : i32
    %dma_wait3A_185 = arith.constant 0 : i32
    %dma_wait3A_186 = tpu.memref_slice %arg4[%add3A_171, %dma_wait3A_184, %dma_wait3A_185] : memref<16384x50x64xf32, #tpu.memory_space<hbm>> -> memref<1x50x64xf32, #tpu.memory_space<hbm>>
    %dma_wait3A_187 = tpu.memref_squeeze %dma_wait3A_186 : memref<1x50x64xf32, #tpu.memory_space<hbm>> -> memref<50x64xf32, #tpu.memory_space<hbm>>
    %dma_wait3A_188 = arith.constant 0 : i32
    %dma_wait3A_189 = arith.constant 0 : i32
    %dma_wait3A_190 = tpu.memref_slice %arg6[%dma_wait3A_172, %dma_wait3A_188, %dma_wait3A_189] : memref<8x50x64xf32, #tpu.memory_space<vmem>> -> memref<1x50x64xf32, #tpu.memory_space<vmem>>
    %dma_wait3A_191 = tpu.memref_squeeze %dma_wait3A_190 : memref<1x50x64xf32, #tpu.memory_space<vmem>> -> memref<50x64xf32, #tpu.memory_space<vmem>>
    tpu.wait_dma2 semaphore(%dma_wait3A_183 : memref<!tpu.dma_semaphore, #tpu.memory_space<semaphore_mem>>) src(%dma_wait3A_191 : memref<50x64xf32, #tpu.memory_space<vmem>>) dst(%dma_wait3A_187 : memref<50x64xf32, #tpu.memory_space<hbm>>)
    %add3A_192 = arith.constant 508 : i32
    %add3A_193 = arith.addi %mul3A_2, %add3A_192 : i32
    %dma_wait3A_194 = arith.constant 4 : i32
    %dma_wait3A_195 = arith.constant 4 : i32
    %dma_wait3A_196 = arith.constant 0 : i32
    %dma_wait3A_197 = arith.constant 0 : i32
    %dma_wait3A_198 = tpu.memref_slice %arg6[%dma_wait3A_194, %dma_wait3A_196, %dma_wait3A_197] : memref<8x50x64xf32, #tpu.memory_space<vmem>> -> memref<1x50x64xf32, #tpu.memory_space<vmem>>
    %dma_wait3A_199 = tpu.memref_squeeze %dma_wait3A_198 : memref<1x50x64xf32, #tpu.memory_space<vmem>> -> memref<50x64xf32, #tpu.memory_space<vmem>>
    %dma_wait3A_200 = arith.constant 0 : i32
    %dma_wait3A_201 = arith.constant 0 : i32
    %dma_wait3A_202 = tpu.memref_slice %arg4[%add3A_193, %dma_wait3A_200, %dma_wait3A_201] : memref<16384x50x64xf32, #tpu.memory_space<hbm>> -> memref<1x50x64xf32, #tpu.memory_space<hbm>>
    %dma_wait3A_203 = tpu.memref_squeeze %dma_wait3A_202 : memref<1x50x64xf32, #tpu.memory_space<hbm>> -> memref<50x64xf32, #tpu.memory_space<hbm>>
    %dma_wait3A_204 = tpu.memref_slice %arg8[%dma_wait3A_195] : memref<8x!tpu.dma_semaphore, #tpu.memory_space<semaphore_mem>> -> memref<1x!tpu.dma_semaphore, #tpu.memory_space<semaphore_mem>>
    %dma_wait3A_205 = tpu.memref_squeeze %dma_wait3A_204 : memref<1x!tpu.dma_semaphore, #tpu.memory_space<semaphore_mem>> -> memref<!tpu.dma_semaphore, #tpu.memory_space<semaphore_mem>>
    %dma_wait3A_206 = arith.constant 0 : i32
    %dma_wait3A_207 = arith.constant 0 : i32
    %dma_wait3A_208 = tpu.memref_slice %arg4[%add3A_193, %dma_wait3A_206, %dma_wait3A_207] : memref<16384x50x64xf32, #tpu.memory_space<hbm>> -> memref<1x50x64xf32, #tpu.memory_space<hbm>>
    %dma_wait3A_209 = tpu.memref_squeeze %dma_wait3A_208 : memref<1x50x64xf32, #tpu.memory_space<hbm>> -> memref<50x64xf32, #tpu.memory_space<hbm>>
    %dma_wait3A_210 = arith.constant 0 : i32
    %dma_wait3A_211 = arith.constant 0 : i32
    %dma_wait3A_212 = tpu.memref_slice %arg6[%dma_wait3A_194, %dma_wait3A_210, %dma_wait3A_211] : memref<8x50x64xf32, #tpu.memory_space<vmem>> -> memref<1x50x64xf32, #tpu.memory_space<vmem>>
    %dma_wait3A_213 = tpu.memref_squeeze %dma_wait3A_212 : memref<1x50x64xf32, #tpu.memory_space<vmem>> -> memref<50x64xf32, #tpu.memory_space<vmem>>
    tpu.wait_dma2 semaphore(%dma_wait3A_205 : memref<!tpu.dma_semaphore, #tpu.memory_space<semaphore_mem>>) src(%dma_wait3A_213 : memref<50x64xf32, #tpu.memory_space<vmem>>) dst(%dma_wait3A_209 : memref<50x64xf32, #tpu.memory_space<hbm>>)
    %add3A_214 = arith.constant 509 : i32
    %add3A_215 = arith.addi %mul3A_2, %add3A_214 : i32
    %dma_wait3A_216 = arith.constant 5 : i32
    %dma_wait3A_217 = arith.constant 5 : i32
    %dma_wait3A_218 = arith.constant 0 : i32
    %dma_wait3A_219 = arith.constant 0 : i32
    %dma_wait3A_220 = tpu.memref_slice %arg6[%dma_wait3A_216, %dma_wait3A_218, %dma_wait3A_219] : memref<8x50x64xf32, #tpu.memory_space<vmem>> -> memref<1x50x64xf32, #tpu.memory_space<vmem>>
    %dma_wait3A_221 = tpu.memref_squeeze %dma_wait3A_220 : memref<1x50x64xf32, #tpu.memory_space<vmem>> -> memref<50x64xf32, #tpu.memory_space<vmem>>
    %dma_wait3A_222 = arith.constant 0 : i32
    %dma_wait3A_223 = arith.constant 0 : i32
    %dma_wait3A_224 = tpu.memref_slice %arg4[%add3A_215, %dma_wait3A_222, %dma_wait3A_223] : memref<16384x50x64xf32, #tpu.memory_space<hbm>> -> memref<1x50x64xf32, #tpu.memory_space<hbm>>
    %dma_wait3A_225 = tpu.memref_squeeze %dma_wait3A_224 : memref<1x50x64xf32, #tpu.memory_space<hbm>> -> memref<50x64xf32, #tpu.memory_space<hbm>>
    %dma_wait3A_226 = tpu.memref_slice %arg8[%dma_wait3A_217] : memref<8x!tpu.dma_semaphore, #tpu.memory_space<semaphore_mem>> -> memref<1x!tpu.dma_semaphore, #tpu.memory_space<semaphore_mem>>
    %dma_wait3A_227 = tpu.memref_squeeze %dma_wait3A_226 : memref<1x!tpu.dma_semaphore, #tpu.memory_space<semaphore_mem>> -> memref<!tpu.dma_semaphore, #tpu.memory_space<semaphore_mem>>
    %dma_wait3A_228 = arith.constant 0 : i32
    %dma_wait3A_229 = arith.constant 0 : i32
    %dma_wait3A_230 = tpu.memref_slice %arg4[%add3A_215, %dma_wait3A_228, %dma_wait3A_229] : memref<16384x50x64xf32, #tpu.memory_space<hbm>> -> memref<1x50x64xf32, #tpu.memory_space<hbm>>
    %dma_wait3A_231 = tpu.memref_squeeze %dma_wait3A_230 : memref<1x50x64xf32, #tpu.memory_space<hbm>> -> memref<50x64xf32, #tpu.memory_space<hbm>>
    %dma_wait3A_232 = arith.constant 0 : i32
    %dma_wait3A_233 = arith.constant 0 : i32
    %dma_wait3A_234 = tpu.memref_slice %arg6[%dma_wait3A_216, %dma_wait3A_232, %dma_wait3A_233] : memref<8x50x64xf32, #tpu.memory_space<vmem>> -> memref<1x50x64xf32, #tpu.memory_space<vmem>>
    %dma_wait3A_235 = tpu.memref_squeeze %dma_wait3A_234 : memref<1x50x64xf32, #tpu.memory_space<vmem>> -> memref<50x64xf32, #tpu.memory_space<vmem>>
    tpu.wait_dma2 semaphore(%dma_wait3A_227 : memref<!tpu.dma_semaphore, #tpu.memory_space<semaphore_mem>>) src(%dma_wait3A_235 : memref<50x64xf32, #tpu.memory_space<vmem>>) dst(%dma_wait3A_231 : memref<50x64xf32, #tpu.memory_space<hbm>>)
    %add3A_236 = arith.constant 510 : i32
    %add3A_237 = arith.addi %mul3A_2, %add3A_236 : i32
    %dma_wait3A_238 = arith.constant 6 : i32
    %dma_wait3A_239 = arith.constant 6 : i32
    %dma_wait3A_240 = arith.constant 0 : i32
    %dma_wait3A_241 = arith.constant 0 : i32
    %dma_wait3A_242 = tpu.memref_slice %arg6[%dma_wait3A_238, %dma_wait3A_240, %dma_wait3A_241] : memref<8x50x64xf32, #tpu.memory_space<vmem>> -> memref<1x50x64xf32, #tpu.memory_space<vmem>>
    %dma_wait3A_243 = tpu.memref_squeeze %dma_wait3A_242 : memref<1x50x64xf32, #tpu.memory_space<vmem>> -> memref<50x64xf32, #tpu.memory_space<vmem>>
    %dma_wait3A_244 = arith.constant 0 : i32
    %dma_wait3A_245 = arith.constant 0 : i32
    %dma_wait3A_246 = tpu.memref_slice %arg4[%add3A_237, %dma_wait3A_244, %dma_wait3A_245] : memref<16384x50x64xf32, #tpu.memory_space<hbm>> -> memref<1x50x64xf32, #tpu.memory_space<hbm>>
    %dma_wait3A_247 = tpu.memref_squeeze %dma_wait3A_246 : memref<1x50x64xf32, #tpu.memory_space<hbm>> -> memref<50x64xf32, #tpu.memory_space<hbm>>
    %dma_wait3A_248 = tpu.memref_slice %arg8[%dma_wait3A_239] : memref<8x!tpu.dma_semaphore, #tpu.memory_space<semaphore_mem>> -> memref<1x!tpu.dma_semaphore, #tpu.memory_space<semaphore_mem>>
    %dma_wait3A_249 = tpu.memref_squeeze %dma_wait3A_248 : memref<1x!tpu.dma_semaphore, #tpu.memory_space<semaphore_mem>> -> memref<!tpu.dma_semaphore, #tpu.memory_space<semaphore_mem>>
    %dma_wait3A_250 = arith.constant 0 : i32
    %dma_wait3A_251 = arith.constant 0 : i32
    %dma_wait3A_252 = tpu.memref_slice %arg4[%add3A_237, %dma_wait3A_250, %dma_wait3A_251] : memref<16384x50x64xf32, #tpu.memory_space<hbm>> -> memref<1x50x64xf32, #tpu.memory_space<hbm>>
    %dma_wait3A_253 = tpu.memref_squeeze %dma_wait3A_252 : memref<1x50x64xf32, #tpu.memory_space<hbm>> -> memref<50x64xf32, #tpu.memory_space<hbm>>
    %dma_wait3A_254 = arith.constant 0 : i32
    %dma_wait3A_255 = arith.constant 0 : i32
    %dma_wait3A_256 = tpu.memref_slice %arg6[%dma_wait3A_238, %dma_wait3A_254, %dma_wait3A_255] : memref<8x50x64xf32, #tpu.memory_space<vmem>> -> memref<1x50x64xf32, #tpu.memory_space<vmem>>
    %dma_wait3A_257 = tpu.memref_squeeze %dma_wait3A_256 : memref<1x50x64xf32, #tpu.memory_space<vmem>> -> memref<50x64xf32, #tpu.memory_space<vmem>>
    tpu.wait_dma2 semaphore(%dma_wait3A_249 : memref<!tpu.dma_semaphore, #tpu.memory_space<semaphore_mem>>) src(%dma_wait3A_257 : memref<50x64xf32, #tpu.memory_space<vmem>>) dst(%dma_wait3A_253 : memref<50x64xf32, #tpu.memory_space<hbm>>)
    %add3A_258 = arith.constant 511 : i32
    %add3A_259 = arith.addi %mul3A_2, %add3A_258 : i32
    %dma_wait3A_260 = arith.constant 7 : i32
    %dma_wait3A_261 = arith.constant 7 : i32
    %dma_wait3A_262 = arith.constant 0 : i32
    %dma_wait3A_263 = arith.constant 0 : i32
    %dma_wait3A_264 = tpu.memref_slice %arg6[%dma_wait3A_260, %dma_wait3A_262, %dma_wait3A_263] : memref<8x50x64xf32, #tpu.memory_space<vmem>> -> memref<1x50x64xf32, #tpu.memory_space<vmem>>
    %dma_wait3A_265 = tpu.memref_squeeze %dma_wait3A_264 : memref<1x50x64xf32, #tpu.memory_space<vmem>> -> memref<50x64xf32, #tpu.memory_space<vmem>>
    %dma_wait3A_266 = arith.constant 0 : i32
    %dma_wait3A_267 = arith.constant 0 : i32
    %dma_wait3A_268 = tpu.memref_slice %arg4[%add3A_259, %dma_wait3A_266, %dma_wait3A_267] : memref<16384x50x64xf32, #tpu.memory_space<hbm>> -> memref<1x50x64xf32, #tpu.memory_space<hbm>>
    %dma_wait3A_269 = tpu.memref_squeeze %dma_wait3A_268 : memref<1x50x64xf32, #tpu.memory_space<hbm>> -> memref<50x64xf32, #tpu.memory_space<hbm>>
    %dma_wait3A_270 = tpu.memref_slice %arg8[%dma_wait3A_261] : memref<8x!tpu.dma_semaphore, #tpu.memory_space<semaphore_mem>> -> memref<1x!tpu.dma_semaphore, #tpu.memory_space<semaphore_mem>>
    %dma_wait3A_271 = tpu.memref_squeeze %dma_wait3A_270 : memref<1x!tpu.dma_semaphore, #tpu.memory_space<semaphore_mem>> -> memref<!tpu.dma_semaphore, #tpu.memory_space<semaphore_mem>>
    %dma_wait3A_272 = arith.constant 0 : i32
    %dma_wait3A_273 = arith.constant 0 : i32
    %dma_wait3A_274 = tpu.memref_slice %arg4[%add3A_259, %dma_wait3A_272, %dma_wait3A_273] : memref<16384x50x64xf32, #tpu.memory_space<hbm>> -> memref<1x50x64xf32, #tpu.memory_space<hbm>>
    %dma_wait3A_275 = tpu.memref_squeeze %dma_wait3A_274 : memref<1x50x64xf32, #tpu.memory_space<hbm>> -> memref<50x64xf32, #tpu.memory_space<hbm>>
    %dma_wait3A_276 = arith.constant 0 : i32
    %dma_wait3A_277 = arith.constant 0 : i32
    %dma_wait3A_278 = tpu.memref_slice %arg6[%dma_wait3A_260, %dma_wait3A_276, %dma_wait3A_277] : memref<8x50x64xf32, #tpu.memory_space<vmem>> -> memref<1x50x64xf32, #tpu.memory_space<vmem>>
    %dma_wait3A_279 = tpu.memref_squeeze %dma_wait3A_278 : memref<1x50x64xf32, #tpu.memory_space<vmem>> -> memref<50x64xf32, #tpu.memory_space<vmem>>
    tpu.wait_dma2 semaphore(%dma_wait3A_271 : memref<!tpu.dma_semaphore, #tpu.memory_space<semaphore_mem>>) src(%dma_wait3A_279 : memref<50x64xf32, #tpu.memory_space<vmem>>) dst(%dma_wait3A_275 : memref<50x64xf32, #tpu.memory_space<hbm>>)
    return
  }
}

</mosaic_0001>

<sc_bundles>
// kernel: _sc_embedding_gather.3.cloned.1.call-start
scs
__scs_entry_jumppad:
0x0: {  	(pc) =	sbr.rel $0x88, $3  }
0x1: {  	(tag) =	ssettag $0x0;
	lr =	simm.s32 $0x1  }
0x2: {  	[smem:$0x3F9F] =	sst lr;
	_ =	strace $0xD0000000  }
0x3: {  	_ = 	snop  }
0x4: {  	_ = 	snop  }
0x5: {  	_ = 	snop  }
0x6: {  	_ = 	snop  }
0x7: {  	_ = 	snop  }
__scs_overlays_trampoline_lowered:
0x8: {  	[smem:$0x3FAE] =	sst s0  }
0x9: {  	[smem:$0x3FAF] =	sst s1  }
0xa: {  	[smem:$0x3FB0] =	sst s2  }
0xb: {  	[smem:$0x3FB1] =	sst s3  }
0xc: {  	[smem:$0x3FB2] =	sst s4  }
0xd: {  	[smem:$0x3FB3] =	sst s5  }
0xe: {  	[smem:$0x3FB4] =	sst s6  }
0xf: {  	[smem:$0x3FB5] =	sst s7  }
0x10: {  	[smem:$0x3FB6] =	sst s8  }
0x11: {  	[smem:$0x3FB7] =	sst s9;
	s0 =	simm.s32 @!p0 $0x0  }
0x12: {  	s1 =	sld [smem:$0x3F9D];
	s0 =	simm.s32 @p0 $0x1  }
0x13: {  	[smem:$0x3FB8] =	sst s0;
	s0 =	simm.s32 @!p1 $0x0  }
0x14: {  	s2 =	sld [smem:$0x3F9C];
	s0 =	simm.s32 @p1 $0x1  }
0x15: {  	[smem:$0x3FB9] =	sst s0;
	s0 =	simm.s32 @!p2 $0x0  }
0x16: {  	s3 =	sld [smem:$0x3FDB];
	s0 =	simm.s32 @p2 $0x1  }
0x17: {  	s4 =	simm.s32 $0x1BF5;
	[smem:$0x3FBB] =	sst s0  }
0x18: {  	s0 =	sld [smem:$0x3F9E];
	_ =	swait.ge [sflag:s4], $0x0  }
0x19: {  	s7 =	sld [smem:$0x3F9F]  }
0x1a: {  	s8 =	sadd.s32 $0xFFFFE003, lr  }
0x1b: {  	s9 =	sadd.s32 $0xFFFFFEF7, lr;
	s5 =	simm.s32 $0xFFFFFFFF;
	p2 =	slt.u32 s8, $0xFFFFF086  }
0x1c: {  	p1 =	slt.u32 s9, $0xF7A;
	s5 =	simm.s32 @!p2 $0x0  }
0x1d: {  	s5 =	simm.s32 @p1 $0x1;
	p0 =	seq.s32 s7, s2  }
0x1e: {  	s7 =	smul.u32 @!p0 $0xF7A, s2;
	p2 =	seq.s32 @!p0 s5, $0x0  }
0x1f: {  	s9 =	smul.u32 $0xF7A, s1;
	s8 =	simm.s32 @!p0 $0x1BF5;
	p2 =	por !p2, p0  }
0x20: {  	[sflag:s8] =	ssyncset.s32 @!p0 $0xFFFFF086;
	s6 =	sadd.s32 @!p0 s3, s7;
	s7 =	simm.s32 @!p0 $0x108  }
0x21: {  	s3 =	sadd.s32 s3, s9;
	s6 =	sadd.s32 @!p0 $0x88, s6;
	s7 =	simm.s32 @p2 $0x1082  }
0x22: {  	[simem:s7], [sflag:s8] =	dma.local @!p0 [hbm:s6], $0xF7A  }
0x23: {  	s9 =	sor.u32 $0xD0000000, s2;
	s6 =	simm.s32 $0x108;
	_ =	swait.ge @!p0 [sflag:s8], $0x0  }
0x24: {  	s3 =	sadd.s32 $0x88, s3;
	s6 =	simm.s32 @!p1 $0x1082;
	[sflag:s4] =	ssyncset.s32 $0xFFFFF086  }
0x25: {  	[simem:s6], [sflag:s4] =	dma.local [hbm:s3], $0xF7A  }
0x26: {  	[smem:$0x3F9F] =	sst s1;
	(tag) =	ssettag s2;
	_ =	strace s9  }
0x27: {  	s1 =	sld [smem:$0x3FAF]  }
0x28: {  	s2 =	sld [smem:$0x3FB0]  }
0x29: {  	s4 =	sld [smem:$0x3FB2]  }
0x2a: {  	p0 =	seq.s32 s5, $0x0;
	s5 =	sld [smem:$0x3FB3]  }
0x2b: {  	s6 =	sld [smem:$0x3FB4]  }
0x2c: {  	s7 =	sld [smem:$0x3FB5]  }
0x2d: {  	s3 =	simm.s32 $0x108;
	s8 =	sld [smem:$0x3FB6]  }
0x2e: {  	s3 =	simm.s32 @!p0 $0x1082;
	s9 =	sld [smem:$0x3FB7]  }
0x2f: {  	lr =	sadd.s32 s0, s3;
	s0 =	sld [smem:$0x3FAE]  }
0x30: {  	s3 =	sld [smem:$0x3FB1]  }
0x31: {  	[smem:$0x3FBA] =	sst s10  }
0x32: {  	s10 =	sld [smem:$0x3FB8];
	_ =	sdelay $0x3  }
0x33: {  	p0 =	seq.s32 s10, $0x1;
	s10 =	sld [smem:$0x3FBA];
	_ =	sdelay $0x3  }
0x34: {  	[smem:$0x3FBA] =	sst s10  }
0x35: {  	s10 =	sld [smem:$0x3FB9];
	_ =	sdelay $0x3  }
0x36: {  	p1 =	seq.s32 s10, $0x1;
	s10 =	sld [smem:$0x3FBA];
	_ =	sdelay $0x3  }
0x37: {  	[smem:$0x3FBA] =	sst s10  }
0x38: {  	s10 =	sld [smem:$0x3FBB]  }
0x39: {  	_ = 	snop;
	(pc) =	sbr.ind lr, $3  }
0x3a: {  	_ = 	snop  }
0x3b: {  	_ = 	snop  }
0x3c: {  	p2 =	seq.s32 s10, $0x1;
	s10 =	sld [smem:$0x3FBA]  }
0x3d: {  	_ =	shalt  }
0x3e: {  	_ =	shalt  }
0x3f: {  	_ =	shalt  }
0x40: {  	_ =	shalt  }
0x41: {  	_ =	shalt  }
0x42: {  	_ =	shalt  }
0x43: {  	_ =	shalt  }
0x44: {  	_ =	shalt  }
0x45: {  	_ =	shalt  }
0x46: {  	_ =	shalt  }
0x47: {  	_ =	shalt  }
0x48: {  	_ =	shalt  }
0x49: {  	_ =	shalt  }
0x4a: {  	_ =	shalt  }
0x4b: {  	_ =	shalt  }
0x4c: {  	_ =	shalt  }
0x4d: {  	_ =	shalt  }
0x4e: {  	_ =	shalt  }
0x4f: {  	_ =	shalt  }
0x50: {  	_ =	shalt  }
0x51: {  	_ =	shalt  }
0x52: {  	_ =	shalt  }
0x53: {  	_ =	shalt  }
0x54: {  	_ =	shalt  }
0x55: {  	_ =	shalt  }
0x56: {  	_ =	shalt  }
0x57: {  	_ =	shalt  }
0x58: {  	_ =	shalt  }
0x59: {  	_ =	shalt  }
0x5a: {  	_ =	shalt  }
0x5b: {  	_ =	shalt  }
0x5c: {  	_ =	shalt  }
0x5d: {  	_ =	shalt  }
0x5e: {  	_ =	shalt  }
0x5f: {  	_ =	shalt  }
0x60: {  	_ =	shalt  }
0x61: {  	_ =	shalt  }
0x62: {  	_ =	shalt  }
0x63: {  	_ =	shalt  }
0x64: {  	_ =	shalt  }
0x65: {  	_ =	shalt  }
0x66: {  	_ =	shalt  }
0x67: {  	_ =	shalt  }
0x68: {  	_ =	shalt  }
0x69: {  	_ =	shalt  }
0x6a: {  	_ =	shalt  }
0x6b: {  	_ =	shalt  }
0x6c: {  	_ =	shalt  }
0x6d: {  	_ =	shalt  }
0x6e: {  	_ =	shalt  }
0x6f: {  	_ =	shalt  }
0x70: {  	_ =	shalt  }
0x71: {  	_ =	shalt  }
0x72: {  	_ =	shalt  }
0x73: {  	_ =	shalt  }
0x74: {  	_ =	shalt  }
0x75: {  	_ =	shalt  }
0x76: {  	_ =	shalt  }
0x77: {  	_ =	shalt  }
0x78: {  	_ =	shalt  }
0x79: {  	_ =	shalt  }
0x7a: {  	_ =	shalt  }
0x7b: {  	_ =	shalt  }
0x7c: {  	_ =	shalt  }
0x7d: {  	_ =	shalt  }
0x7e: {  	_ =	shalt  }
0x7f: {  	_ =	shalt  }
0x80: {  	_ =	shalt  }
0x81: {  	_ =	shalt  }
0x82: {  	_ =	shalt  }
0x83: {  	_ =	shalt  }
0x84: {  	_ =	shalt  }
0x85: {  	_ =	shalt  }
0x86: {  	_ =	shalt  }
0x87: {  	_ =	shalt  }
.Lfunc_end0:
.L_simem_size_0:
called_computation.1_lowered:
.L_overlay_start_0:
0x88: {  	s2 =	sld [smem:$0x3FD9]  }
0x89: {  	s3 =	sld [smem:$0x3FFE];
	_ =	sdelay $0x1  }
0x8a: {  	s1 =	srdreg.scid  }
0x8b: {  	s0 =	sand.u32 $0x1, s1  }
0x8c: {  	s17 =	sshll.u32 s0, $0xA;
	s2 =	sadd.s32 s3, s2  }
0x8d: {  	s2 =	sadd.s32 s2, s17  }
0x8e: {  	[smem:$0x3FC6] =	sst s2  }
0x8f: {  	_ = 	snop  }
0x90: {  	s2 =	sld [smem:$0x3FD0];
	(tm) =	ssettm $0x1  }
0x91: {  	s18 =	sld [smem:$0x3FFB];
	_ =	sdelay $0x3  }
0x92: {  	_ =	strace s18  }
0x93: {  	s3 =	sld [smem:$0x3FFC];
	_ =	sdelay $0x3  }
0x94: {  	_ =	strace s3  }
0x95: {  	s3 =	sld [smem:$0x3FFD];
	_ =	sdelay $0x3  }
0x96: {  	_ =	strace s3  }
0x97: {  	_ =	strace $0x8FFFFFFF  }
0x98: {  	s19 =	sld [smem:$0x3FDB];
	_ =	sdelay $0x1  }
0x99: {  	s4 =	simm.s32 $_scs_section_size  }
0x9a: {  	s5 =	simm.s32 $_size__tile_overlayer_lowered;
	s6 =	simm.s32 $_tile_overlayer_lowered  }
0x9b: {  	s22 =	simm.s32 $0x1BFF;
	s21 =	sshll.u32 s6, $0x1;
	s3 =	sadd.s32 s4, s19  }
0x9c: {  	s7 =	simm.s32 $0x0;
	s20 =	sshll.u32 s5, $0x1;
	s5 =	sadd.s32 s21, s3  }
0x9d: {  	[timem:s7], [sflag:s22] =	dma.local [hbm:s5], s20  }
0x9e: {  	_ =	swait.ge [sflag:s22], s20  }
0x9f: {  	s4 =	ssub.s32 $0x0, s20;
	[sflag:s22] =	ssyncset.done $0x0  }
0xa0: {  	[sflag:s22] =	ssyncadd.s32 s4;
	_ =	sdelay $0x1  }
0xa1: {  	s23 =	simm.s32 $0x1B8B  }
0xa2: {  	_ =	swait.ge [sflag:s23], $0x1  }
0xa3: {  	[sflag:s23] =	ssyncset.done $0x0  }
0xa4: {  	s25 =	simm.s32 $0x1B8E;
	s24 =	sld [smem:$0x3FFE];
	[sflag:s23] =	ssyncadd.s32 $0xFFFFFFFF  }
0xa5: {  	s26 =	simm.s32 $execute0_lowered;
	[smem:$0x3FD2] =	sst s25  }
0xa6: {  	s5 =	sshll.u32 s26, $0x1;
	_ =	strace $0x80000046;
	[dreg:$0x1] =	wrdreg $0xFFFFFFFF  }
0xa7: {  	s28 =	simm.s32 $_size_execute0_lowered;
	s3 =	sadd.s32 s3, s5;
	[dreg:$0x0] =	wrdreg $0x0  }
0xa8: {  	s5 =	sshll.u32 s28, $0x1;
	[dreg:$0x2] =	wrdreg s3  }
0xa9: {  	[dreg:$0x3] =	wrdreg s5  }
0xaa: {  	[dreg:$0x4] =	wrdreg $0xC0  }
0xab: {  	_ =	task [dreg:s7], $0x5FFFF  }
0xac: {  	[dreg:$0x1] =	wrdreg $0xFFFFFFFF  }
0xad: {  	[dreg:$0x0] =	wrdreg $0x60  }
0xae: {  	[dreg:$0x2] =	wrdreg s24  }
0xaf: {  	[dreg:$0x3] =	wrdreg s2  }
0xb0: {  	[dreg:$0x4] =	wrdreg $0x9  }
0xb1: {  	_ =	task.clear_ibuf [dreg:s7], $0x5FFFF;
	_ =	strace $0x90000046  }
0xb2: {  	s29 =	simm.s32 $0x9;
	_ =	strace $0x80000048  }
0xb3: {  	_ =	swait.ge [sflag:s29], $0x1  }
0xb4: {  	[sflag:s29] =	ssyncadd.s32 $0xFFFFFFFF  }
0xb5: {  	_ =	strace $0x90000048  }
0xb6: {  	_ =	sfence  }
0xb7: {  	s30 =	sld [smem:$0x0];
	_ =	sdelay $0x2  }
0xb8: {  	s31 =	sshll.u32 s1, $0xD;
	s1 =	sshrl.u32 s1, $0x2  }
0xb9: {  	s3 =	sand.u32 $0x4000, s31;
	s1 =	sadd.s32 s1, s30  }
0xba: {  	s0 =	sor.u32 s3, s0;
	s1 =	sshll.u32 s1, $0x11  }
0xbb: {  	s0 =	sor.u32 s1, s0  }
0xbc: {  	s0 =	sadd.s32 $0x8F2B, s0  }
0xbd: {  	[sflag:s0] =	ssyncadd.remote.s32 $0x1  }
0xbe: {  	_ =	sfence.sel $0xFFFF  }
0xbf: {  	[dreg:$0x0] =	wrdreg $0xFFFFFFFF;
	(pc) =	sbr.abs _section_cstart, $3  }
0xc0: {  	[dreg:$0x1] =	wrdreg $0xFFFFFFFF  }
0xc1: {  	_ =	task.clear_ibuf [dreg:s7], $0x2FFFF;
	_ =	strace $0x9FFFFFFF  }
0xc2: {  	(tm) =	ssettm $0x7FFFFFFF  }
0xc3: {  	_ =	shalt  }
tec
execute0_lowered:
.L_overlay_start_1:
0x0: {  	(tag) =	ssettag $0x1  }
0x1: {  	s0 =	srdreg.scid  }
0x2: {  	s1 =	rddreg [dreg:$0x0];
	s8 =	stileid.u32  }
0x3: {  	s6 =	rddreg [dreg:$0x1];
	s2 =	simm.s32 $0x0;
	s9 =	simm.s32 $0x11  }
0x4: {  	s10 =	simm.s32 $0x32;
	s11 =	simm.s32 $0x7000;
	s13 =	simm.s32 $0x7C80  }
0x5: {  	s22 =	simm.s32 $0x1;
	s25 =	simm.s32 $0x2;
	s29 =	simm.s32 $0x9  }
0x6: {  	s30 =	simm.s32 $0xA;
	s31 =	simm.s32 $0xB;
	s12 =	simm.s32 $0xE  }
0x7: {  	s14 =	simm.s32 $0xF;
	s15 =	simm.s32 $0x10;
	s16 =	simm.s32 $0x0  }
0x8: {  	s0 =	sand.u32 $0x1, s0;
	s3 =	sshll.u32 s8, $0xA;
	[smem:$0x7FF] =	sst s2  }
0x9: {  	s8 =	smul.u32 $0x64000, s8;
	s4 =	sshll.u32 s0, $0x9;
	_ =	strace $0x80000047  }
0xa: {  	s5 =	ssub.s32 $0x2, s0;
	s0 =	smul.u32 $0x32000, s0;
	s3 =	sor.u32 s4, s3  }
0xb: {  	s28 =	sshrl.u32 s5, $0x1;
	s8 =	sadd.s32 s8, s6;
	s4 =	smul.u32 $0x7, s3  }
0xc: {  	s7 =	smul.u32 $0x190, s3;
	s3 =	sadd.s32 $0xF42E00, s1;
	s0 =	sadd.s32 s0, s8  }
0xd: {  	s8 =	sadd.s32 $0x320, s0;
	s0 =	simm.s32 $0xD;
	s4 =	sadd.s32 s4, s1  }
0xe: {  	s1 =	ssub.s32 s5, s28;
	s6 =	sadd.s32 s6, s7;
	s4 =	sadd.s32 $0xA00, s4  }
0xf: {  	s5 =	smax.u32 s1, $0x1;
	s7 =	sadd.s32 $0x190, s6;
	s1 =	simm.s32 $0xC  }
.LBB2_1:
0x10: {  	[tilespmem:s2], [sflag:$0x11] =	stream.linear.gather [hbm4b:s4+s2], $0x7000, $0x38;
	[tilespmem:$0xD400] =	vst v63  }
0x11: {  	_ =	swait.ge [sflag:s9], $0x7000  }
0x12: {  	[sflag:s9] =	ssyncset.done $0x0  }
0x13: {  	[sflag:s9] =	ssyncadd.s32 $0xFFFF9000  }
0x14: {  	[tilespmem:s11], [sflag:$0x1] =	stream.indirect.gather [hbm4b:s3+s10], $0x40, s2, s10, $0xb8;
	[tilespmem:$0xD400] =	vst v63  }
0x15: {  	s17 =	simm.s32 $0x38  }
0x16: {  	[tilespmem:s13], [sflag:$0x2] =	stream.indirect.gather [hbm4b:s3+s10], $0x40, s17, s10, $0xb8;
	[tilespmem:$0xD400] =	vst v63  }
0x17: {  	s19 =	simm.s32 $0x70;
	s18 =	simm.s32 $0x8900  }
0x18: {  	[tilespmem:s18], [sflag:$0x3] =	stream.indirect.gather [hbm4b:s3+s10], $0x40, s19, s10, $0xb8;
	[tilespmem:$0xD400] =	vst v63  }
0x19: {  	s20 =	simm.s32 $0xA8;
	s21 =	simm.s32 $0x9580  }
0x1a: {  	[tilespmem:s21], [sflag:$0x4] =	stream.indirect.gather [hbm4b:s3+s10], $0x40, s20, s10, $0xb8;
	[tilespmem:$0xD400] =	vst v63  }
0x1b: {  	s23 =	simm.s32 $0xE0;
	s24 =	simm.s32 $0xA200  }
0x1c: {  	[tilespmem:s24], [sflag:$0x5] =	stream.indirect.gather [hbm4b:s3+s10], $0x40, s23, s10, $0xb8;
	[tilespmem:$0xD400] =	vst v63  }
0x1d: {  	s26 =	simm.s32 $0x118;
	s28 =	simm.s32 $0xAE80  }
0x1e: {  	[tilespmem:s28], [sflag:$0x6] =	stream.indirect.gather [hbm4b:s3+s10], $0x40, s26, s10, $0xb8;
	[tilespmem:$0xD400] =	vst v63  }
0x1f: {  	_ =	swait.ge [sflag:s22], $0xC80  }
0x20: {  	[sflag:s22] =	ssyncset.done $0x0  }
0x21: {  	[sflag:s22] =	ssyncadd.s32 $0xFFFFF380  }
0x22: {  	[hbm4b:s6+s2] =	stream.linear.scatter [tilespmem:s11], [sflag:$0x9], $0xC80, $0x38;
	[tilespmem:$0xD400] =	vst v63  }
0x23: {  	s19 =	simm.s32 $0x150;
	s20 =	simm.s32 $0xBB00  }
0x24: {  	[tilespmem:s20], [sflag:$0x7] =	stream.indirect.gather [hbm4b:s3+s10], $0x40, s19, s10, $0xb8;
	[tilespmem:$0xD400] =	vst v63  }
0x25: {  	p0 =	por $0x0, $0x0;
	s17 =	simm.s32 $0x1C0;
	_ =	swait.ge [sflag:s25], $0xC80  }
0x26: {  	s21 =	simm.s32 $0x188;
	s24 =	simm.s32 $0x2;
	[sflag:s25] =	ssyncset.done $0x0  }
0x27: {  	s23 =	simm.s32 $0xC780;
	s26 =	sand.u32 $0x7, s24;
	[sflag:s25] =	ssyncadd.s32 $0xFFFFF380  }
0x28: {  	[hbm4b:s7+s2] =	stream.linear.scatter [tilespmem:s13], [sflag:$0xA], $0xC80, $0x38;
	[tilespmem:$0xD400] =	vst v63  }
0x29: {  	s18 =	sadd.s32 $0x9, s26;
	s19 =	simm.s32 $0x8;
	s20 =	sadd.s32 $0x1, s26  }
0x2a: {  	[tilespmem:s23], [sflag:$0x8] =	stream.indirect.gather [hbm4b:s3+s10], $0x40, s21, s10, $0xb8;
	[tilespmem:$0xD400] =	vst v63  }
0x2b: {  	s19 =	sand.u32 @!p0 $0x7, s19;
	s21 =	smul.u32 $0x3200, s26;
	_ =	swait.ge [sflag:s20], $0xC80  }
0x2c: {  	s24 =	smul.u32 @!p0 $0x3200, s19;
	s23 =	sadd.s32 @!p0 $0x1, s19;
	[sflag:s20] =	ssyncset.done $0x0  }
0x2d: {  	s26 =	simm.s32 @!p0 $0x32;
	s21 =	sshrl.u32 s21, $0x2;
	[sflag:s20] =	ssyncadd.s32 $0xFFFFF380  }
0x2e: {  	s28 =	sadd.s32 $0x7000, s21;
	s21 =	sadd.s32 @!p0 $0x9, s19;
	s20 =	sshrl.u32 @!p0 s24, $0x2  }
0x2f: {  	[hbm4b:s8+s2] =	stream.linear.scatter [tilespmem:s28], [sflag:s18], $0xC80, $0x38;
	[tilespmem:$0xD400] =	vst v63  }
0x30: {  	s19 =	sadd.s32 $0x190, s8;
	s18 =	simm.s32 $0x9;
	_ =	swait.ge @!p0 [sflag:s21], $0xC80  }
0x31: {  	s24 =	sadd.s32 @!p0 $0x7000, s20;
	s20 =	simm.s32 $0x1C0;
	[sflag:s21] =	ssyncset.done @!p0 $0x0  }
.LBB2_2:
0x32: {  	[sflag:s21] =	ssyncadd.s32 @!p0 $0xFFFFF380  }
0x33: {  	s17 =	sadd.s32 $0x38, s17;
	s21 =	smov.u32 s18;
	s18 =	sadd.s32 $0x1, s18  }
0x34: {  	[tilespmem:s24], [sflag:s23] =	stream.indirect.gather @!p0 [hbm4b:s3+s26], $0x40, s20, s26, $0xb8;
	[tilespmem:$0xD400] =	vst v63  }
0x35: {  	s23 =	sadd.s32 $0xFFFFFFFA, s21;
	p1 =	sne.s32 s18, $0x206;
	s20 =	smov.u32 s17  }
0x36: {  	s24 =	sand.u32 $0x7, s23  }
0x37: {  	s26 =	sadd.s32 $0x1, s24;
	s28 =	smul.u32 $0x3200, s24  }
0x38: {  	p0 =	sgt.u32 s23, $0x1F9;
	s24 =	sadd.s32 $0x9, s24;
	_ =	swait.ge [sflag:s26], $0xC80  }
0x39: {  	s23 =	sand.u32 @!p0 $0x7, s21;
	s28 =	sshrl.u32 s28, $0x2;
	[sflag:s26] =	ssyncset.done $0x0  }
.Ltmp0:
0x3a: {  	[sflag:s26] =	ssyncadd.s32 $0xFFFFF380;
	s26 =	sadd.s32 $0x7000, s28;
	(pc) =	sbr.rel @p1 .LBB2_2-.Ltmp0, $4  }
0x3b: {  	s21 =	sadd.s32 @!p0 $0x9, s23;
	s28 =	smul.u32 @!p0 $0x3200, s23;
	s23 =	sadd.s32 @!p0 $0x1, s23  }
0x3c: {  	[hbm4b:s19+s2] =	stream.linear.scatter [tilespmem:s26], [sflag:s24], $0xC80, $0x38;
	[tilespmem:$0xD400] =	vst v63  }
0x3d: {  	s24 =	sshrl.u32 @!p0 s28, $0x2;
	s19 =	sadd.s32 $0x190, s19;
	_ =	swait.ge @!p0 [sflag:s21], $0xC80  }
0x3e: {  	s26 =	simm.s32 @!p0 $0x32;
	s24 =	sadd.s32 @!p0 $0x7000, s24;
	[sflag:s21] =	ssyncset.done @!p0 $0x0  }
0x3f: {  	[sflag:s21] =	ssyncadd.s32 @!p0 $0xFFFFF380  }
0x40: {  	[tilespmem:s24], [sflag:s23] =	stream.indirect.gather @!p0 [hbm4b:s3+s26], $0x40, s20, s26, $0xb8;
	[tilespmem:$0xD400] =	vst v63  }
0x41: {  	_ =	swait.ge [sflag:s29], $0xC80  }
0x42: {  	[sflag:s29] =	ssyncset.done $0x0  }
0x43: {  	[sflag:s29] =	ssyncadd.s32 $0xFFFFF380  }
0x44: {  	_ =	swait.ge [sflag:s30], $0xC80  }
0x45: {  	[sflag:s30] =	ssyncset.done $0x0  }
0x46: {  	[sflag:s30] =	ssyncadd.s32 $0xFFFFF380  }
0x47: {  	_ =	swait.ge [sflag:s31], $0xC80  }
0x48: {  	[sflag:s31] =	ssyncset.done $0x0  }
0x49: {  	[sflag:s31] =	ssyncadd.s32 $0xFFFFF380  }
0x4a: {  	_ =	swait.ge [sflag:s1], $0xC80  }
0x4b: {  	[sflag:s1] =	ssyncset.done $0x0  }
0x4c: {  	[sflag:s1] =	ssyncadd.s32 $0xFFFFF380  }
0x4d: {  	_ =	swait.ge [sflag:s0], $0xC80  }
0x4e: {  	[sflag:s0] =	ssyncset.done $0x0  }
0x4f: {  	[sflag:s0] =	ssyncadd.s32 $0xFFFFF380  }
0x50: {  	_ =	swait.ge [sflag:s12], $0xC80  }
0x51: {  	[sflag:s12] =	ssyncset.done $0x0  }
0x52: {  	s16 =	sadd.s32 $0x1, s16;
	[sflag:s12] =	ssyncadd.s32 $0xFFFFF380  }
0x53: {  	p0 =	sne.s32 s16, s5;
	_ =	swait.ge [sflag:s14], $0xC80  }
.Ltmp1:
0x54: {  	[sflag:s14] =	ssyncset.done $0x0;
	(pc) =	sbr.rel @p0 .LBB2_1-.Ltmp1, $4  }
0x55: {  	[sflag:s14] =	ssyncadd.s32 $0xFFFFF380  }
0x56: {  	_ =	swait.ge [sflag:s15], $0xC80  }
0x57: {  	[sflag:s15] =	ssyncset.done $0x0  }
0x58: {  	[sflag:s15] =	ssyncadd.s32 $0xFFFFF380  }
0x59: {  	_ =	sfence.sel $0x180000  }
0x5a: {  	[bflag:$0x0] =	sbarrier.arrive $0xFFFF  }
0x5b: {  	_ =	strace $0x90000047  }
0x5c: {  	s0 =	stileid.u32;
	[bflag:$0x2] =	sbarrier.arrive $0xFFFF  }
0x5d: {  	p0 =	sne.s32 s0, $0x0;
	s0 =	rddreg [dreg:$0x2]  }
0x5e: {  	s0 =	sadd.s32 @!p0 $0x100000, s0  }
0x5f: {  	[sflag:s0] =	ssyncadd.tile.s32 @!p0 $0x1;
	_ =	shalt  }
.Lfunc_end2:
_tile_overlayer_lowered:
.L_overlay_start_2:
0x60: {  	(tag) =	ssettag $0x2  }
0x61: {  	s0 =	rddreg [dreg:$0x0];
	s2 =	stileid.u32  }
0x62: {  	s1 =	rddreg [dreg:$0x1];
	p0 =	sne.s32 s2, $0x0  }
0x63: {  	s3 =	rddreg [dreg:$0x2];
	[bflag:$0x3] =	sbarrier.arrive $0xFFFF;
	s2 =	simm.s32 @!p0 $0x1C12  }
0x64: {  	[timem:s3], [sflag:s2] =	dma.local @!p0 [hbm:s0], s1  }
0x65: {  	s0 =	simm.s32 @!p0 $0x12  }
0x66: {  	_ =	swait.ge @!p0 [sflag:s0], s1  }
0x67: {  	s1 =	ssub.s32 @!p0 $0x0, s1;
	[sflag:s0] =	ssyncset.done @!p0 $0x0  }
0x68: {  	[sflag:s0] =	ssyncadd.s32 @!p0 s1  }
0x69: {  	[bflag:$0x3] =	sbarrier.arrive $0xFFFF  }
0x6a: {  	_ =	shalt  }

// kernel: sparse-core-data-format-call.cloned.1.call-start
scs
called_computation_lowered:
.L_overlay_start_0:
0x0: {  	s2 =	sld [smem:$0x3FD9]  }
0x1: {  	s3 =	sld [smem:$0x3FFE];
	_ =	sdelay $0x1  }
0x2: {  	s1 =	srdreg.scid  }
0x3: {  	s0 =	sand.u32 $0x1, s1  }
0x4: {  	s18 =	sshll.u32 s0, $0xA;
	s2 =	sadd.s32 s3, s2  }
0x5: {  	s2 =	sadd.s32 s2, s18  }
0x6: {  	[smem:$0x3FC6] =	sst s2  }
0x7: {  	_ = 	snop  }
0x8: {  	s2 =	sld [smem:$0x3FD0];
	(tm) =	ssettm $0x1  }
0x9: {  	s19 =	sld [smem:$0x3FFB];
	_ =	sdelay $0x3  }
0xa: {  	_ =	strace s19  }
0xb: {  	s3 =	sld [smem:$0x3FFC];
	_ =	sdelay $0x3  }
0xc: {  	_ =	strace s3  }
0xd: {  	s3 =	sld [smem:$0x3FFD];
	_ =	sdelay $0x3  }
0xe: {  	_ =	strace s3  }
0xf: {  	_ =	strace $0x8FFFFFFF  }
0x10: {  	s20 =	sld [smem:$0x3FDB];
	_ =	sdelay $0x1  }
0x11: {  	s4 =	simm.s32 $_scs_section_size  }
0x12: {  	s5 =	simm.s32 $_size__tile_overlayer_lowered;
	s6 =	simm.s32 $_tile_overlayer_lowered  }
0x13: {  	s23 =	simm.s32 $0x1BFF;
	s22 =	sshll.u32 s6, $0x1;
	s3 =	sadd.s32 s4, s20  }
0x14: {  	s7 =	simm.s32 $0x0;
	s21 =	sshll.u32 s5, $0x1;
	s5 =	sadd.s32 s22, s3  }
0x15: {  	[timem:s7], [sflag:s23] =	dma.local [hbm:s5], s21  }
0x16: {  	_ =	swait.ge [sflag:s23], s21  }
0x17: {  	s4 =	ssub.s32 $0x0, s21;
	[sflag:s23] =	ssyncset.done $0x0  }
0x18: {  	[sflag:s23] =	ssyncadd.s32 s4;
	_ =	sdelay $0x1  }
0x19: {  	s24 =	simm.s32 $0x1B8B  }
0x1a: {  	_ =	swait.ge [sflag:s24], $0x1  }
0x1b: {  	[sflag:s24] =	ssyncset.done $0x0  }
0x1c: {  	s26 =	simm.s32 $0x1B8E;
	s25 =	sld [smem:$0x3FFE];
	[sflag:s24] =	ssyncadd.s32 $0xFFFFFFFF  }
0x1d: {  	s27 =	simm.s32 $execute0_lowered;
	[smem:$0x3FD2] =	sst s26  }
0x1e: {  	s5 =	sshll.u32 s27, $0x1;
	_ =	strace $0x80000049;
	[dreg:$0x1] =	wrdreg $0xFFFFFFFF  }
0x1f: {  	s28 =	simm.s32 $_size_execute0_lowered;
	s3 =	sadd.s32 s3, s5;
	[dreg:$0x0] =	wrdreg $0x0  }
0x20: {  	s5 =	sshll.u32 s28, $0x1;
	[dreg:$0x2] =	wrdreg s3  }
0x21: {  	[dreg:$0x3] =	wrdreg s5  }
0x22: {  	[dreg:$0x4] =	wrdreg $0xC0  }
0x23: {  	_ =	task [dreg:s7], $0x5FFFF  }
0x24: {  	[dreg:$0x1] =	wrdreg $0xFFFFFFFF  }
0x25: {  	[dreg:$0x0] =	wrdreg $0x60  }
0x26: {  	[dreg:$0x2] =	wrdreg s25  }
0x27: {  	[dreg:$0x3] =	wrdreg s2  }
0x28: {  	[dreg:$0x4] =	wrdreg $0x9  }
0x29: {  	_ =	task.clear_ibuf [dreg:s7], $0x5FFFF;
	_ =	strace $0x90000049  }
0x2a: {  	s29 =	simm.s32 $0x9;
	_ =	strace $0x8000004B  }
0x2b: {  	_ =	swait.ge [sflag:s29], $0x1  }
0x2c: {  	[sflag:s29] =	ssyncadd.s32 $0xFFFFFFFF  }
0x2d: {  	_ =	strace $0x9000004B  }
0x2e: {  	_ =	sfence  }
0x2f: {  	s30 =	sld [smem:$0x0];
	_ =	sdelay $0x2  }
0x30: {  	s31 =	sshll.u32 s1, $0xD;
	s1 =	sshrl.u32 s1, $0x2  }
0x31: {  	s3 =	sand.u32 $0x4000, s31;
	s1 =	sadd.s32 s1, s30  }
0x32: {  	s0 =	sor.u32 s3, s0;
	s1 =	sshll.u32 s1, $0x11  }
0x33: {  	s0 =	sor.u32 s1, s0  }
0x34: {  	s0 =	sadd.s32 $0x8F2B, s0  }
0x35: {  	[sflag:s0] =	ssyncadd.remote.s32 $0x1  }
0x36: {  	_ =	sfence.sel $0xFFFF  }
0x37: {  	[dreg:$0x0] =	wrdreg $0xFFFFFFFF;
	(pc) =	sbr.abs _section_cstart, $3  }
0x38: {  	[dreg:$0x1] =	wrdreg $0xFFFFFFFF  }
0x39: {  	_ =	task.clear_ibuf [dreg:s7], $0x2FFFF;
	_ =	strace $0x9FFFFFFF  }
0x3a: {  	(tm) =	ssettm $0x7FFFFFFF  }
0x3b: {  	_ =	shalt  }
tec
execute0_lowered:
.L_overlay_start_1:
0x0: {  	(tag) =	ssettag $0x1  }
0x1: {  	s0 =	srdreg.scid  }
0x2: {  	s1 =	sshll.u32 s0, $0x4  }
0x3: {  	s0 =	stileid.u32;
	s1 =	sand.u32 $0x10, s1  }
0x4: {  	s1 =	sor.u32 s0, s1  }
0x5: {  	s6 =	rddreg [dreg:$0x0];
	s4 =	simm.s32 $0x1;
	s2 =	sshll.u32 s1, $0x7  }
0x6: {  	s7 =	simm.s32 $0x2;
	s12 =	simm.s32 $0x0;
	s1 =	ssub.s32 $0x4000, s2  }
0x7: {  	s8 =	simm.s32 $0x20000;
	s13 =	simm.s32 $0x0;
	s3 =	sand.u32 $0xF80, s1  }
0x8: {  	s9 =	simm.s32 $0x0;
	s5 =	sshrl.u32 s1, $0xC;
	p0 =	sne.s32 s3, $0x0  }
.Ltmp0:
0x9: {  	s1 =	rddreg [dreg:$0x2];
	s4 =	simm.s32 @!p0 $0x0;
	(pc) =	sbr.rel .LBB1_1-.Ltmp0, $4  }
0xa: {  	s11 =	simm.s32 $0x0;
	s3 =	rddreg [dreg:$0x1];
	s5 =	sadd.s32 s4, s5  }
0xb: {  	_ =	strace $0x8000004A;
	s4 =	simm.s32 $0x1;
	s5 =	smul.u32 $0x32, s5  }
0xc: {  	s6 =	sadd.s32 $0xA00, s6;
	s10 =	smov.u32 s2;
	[sflag:s4] =	ssyncpa.u1 $0x0  }
0xd: {  	p0 =	por $0x0, $0x0;
	[sflag:s7] =	ssyncpa.u1 $0x0;
	s7 =	sor.u32 $0x1, s5  }
.LBB1_4:
0xe: {  	s16 =	sshll.u32 s13, $0x3;
	s17 =	sand.u32 $0x78, s13  }
0xf: {  	s30 =	sand.u32 $0x1F800, s13;
	s12 =	sshll.u32 s12, $0x11;
	s16 =	sand.u32 $0x3C00, s16  }
0x10: {  	[tilespmem:s15+$0x810 ss:$0x81] =	vst.msk $0xffff, v2;
	s31 =	sand.u32 $0x7, s13;
	s16 =	sor.u32 s17, s16;
	s17 =	sadd.s32 s3, s30  }
0x11: {  	[tilespmem:s15+$0x1020 ss:$0x81] =	vst.msk $0xffff, v0;
	s13 =	sshll.u32 s31, $0x12;
	s12 =	sadd.s32 s12, s17;
	s16 =	sshrl.u32 s16, $0x3  }
0x12: {  	[tilespmem:s15+$0x0 ss:$0x81] =	vst.msk $0xffff, v1;
	s13 =	sor.u32 $0x400, s13;
	s12 =	sadd.s32 s16, s12  }
0x13: {  	[hbm4b:s12+s13] =	stream.strided.scatter [tilespmem:s14], [sflag:$0x2], $0x2000, s8, s13, $0x20;
	[tilespmem:$0x8080] =	vst v63  }
.LBB1_5:
0x14: {  	s14 =	sadd.s32 $0x1, s9  }
0x15: {  	s12 =	sadd.s32 $0x1000, s10;
	s16 =	smov.u32 s10;
	p2 =	sgt.s32 s14, $0x31  }
0x16: {  	s16 =	smov.u32 @p2 s12  }
0x17: {  	s14 =	simm.s32 @p2 $0x0;
	p2 =	sgt.s32 s16, $0x3FFF  }
0x18: {  	s16 =	smov.u32 @p2 s2;
	p2 =	sne.s32 s11, s7  }
.Ltmp1:
0x19: {  	p1 =	slt.u32 s11, $0x2;
	(pc) =	sbr.rel @!p2 .LBB1_6-.Ltmp1, $4  }
0x1a: {  	s15 =	simm.s32 @!p1 $0x2  }
0x1b: {  	s13 =	smov.u32 s10;
	p0 =	por !p0, !p0;
	_ =	swait.ge @!p1 [sflag:s15], $0x2000  }
0x1c: {  	s12 =	smov.u32 s9;
	[sflag:s15] =	ssyncset.done @!p1 $0x0;
	s9 =	smov.u32 s14  }
0x1d: {  	s11 =	sadd.s32 $0x1, s11;
	[sflag:s15] =	ssyncadd.s32 @!p1 $0xFFFFE000;
	s10 =	smov.u32 s16  }
.LBB1_1:
0x1e: {  	p1 =	sge.u32 s11, s5  }
0x1f: {  	s14 =	sand.u32 @!p1 $0x1FFFFFF, s9  }
0x20: {  	s15 =	smulhi.u32 @!p1 $0x4924925, s14;
	_ =	sdelay $0x1  }
0x21: {  	s15 =	smul.u32 @!p1 $0x38, s15  }
0x22: {  	s16 =	sxor.u32 @!p1 $0xFFFFFFFF, s11;
	s17 =	smul.u32 @!p1 $0x380, s10  }
0x23: {  	s31 =	sadd.s32 $0xFFFFFFFF, s11;
	s16 =	sshll.u32 @!p1 s16, $0xD;
	s14 =	ssub.s32 @!p1 s14, s15  }
0x24: {  	s15 =	sand.u32 @!p1 $0x2000, s16;
	s16 =	sadd.s32 @!p1 s6, s17;
	s14 =	sshll.u32 @!p1 s14, $0x4  }
0x25: {  	s17 =	simm.s32 @!p1 $0x1C00;
	s14 =	sadd.s32 @!p1 s14, s16;
	s16 =	simm.s32 @!p1 $0x40  }
0x26: {  	[tilespmem:s15], [sflag:$0x1] =	stream.strided.gather @!p1 [hbm4b:s14+s16], $0x2000, s17, s16, $0x38;
	[tilespmem:$0x8080] =	vst v63  }
0x27: {  	p1 =	sge.u32 s31, s5  }
.Ltmp2:
0x28: {  	_ = 	snop;
	(pc) =	sbr.rel @p1 .LBB1_5-.Ltmp2, $1  }
0x29: {  	_ =	sdelay $0x3  }
0x2a: {  	s14 =	simm.s32 $0x1  }
0x2b: {  	_ =	swait.ge [sflag:s4], $0x2000;
	s14 =	simm.s32 @!p0 $0x0  }
0x2c: {  	[sflag:s4] =	ssyncset.done $0x0;
	s15 =	sshll.u32 s14, $0xD  }
0x2d: {  	[sflag:s4] =	ssyncadd.s32 $0xFFFFE000;
	s18 =	sor.u32 $0x20, s15  }
0x2e: {  	s14 =	smul.u32 $0x8100, s14;
	v3 =	vld [tilespmem:s18+$0x10]  }
0x2f: {  	s30 =	sand.u32 $0x1, s11;
	v2 =	vld [tilespmem:s18+$0xFFFFFFF0]  }
0x30: {  	s15 =	smul.u32 $0x8100, s30;
	s14 =	sshrl.u32 s14, $0x2;
	v0 =	vld [tilespmem:s18+$0x0]  }
0x31: {  	v1 =	vld [tilespmem:s18+$0xFFFFFFE0];
	s16 =	sor.u32 $0x4000, s14  }
0x32: {  	s31 =	sshrl.u32 s15, $0x2;
	s15 =	sadd.s32 $0x0, s16  }
0x33: {  	s17 =	simm.s32 $0x4;
	s18 =	sadd.s32 $0x40, s18;
	s14 =	sor.u32 $0x4000, s31;
	[tilespmem:s15+$0x1830 ss:$0x81] =	vst.msk $0xffff, v3  }
.LBB1_3:
0x34: {  	v3 =	vld [tilespmem:s18+$0x10];
	p1 =	sne.s32 s17, $0x1FC;
	[tilespmem:s15+$0x810 ss:$0x81] =	vst.msk $0xffff, v2;
	s19 =	smov.u32 s17;
	s17 =	sadd.s32 $0x4, s17  }
.Ltmp3:
0x35: {  	v2 =	vld [tilespmem:s18+$0xFFFFFFF0];
	[tilespmem:s15+$0x1020 ss:$0x81] =	vst.msk $0xffff, v0;
	(pc) =	sbr.rel @p1 .LBB1_3-.Ltmp3, $4  }
0x36: {  	v0 =	vld [tilespmem:s18+$0x0];
	[tilespmem:s15+$0x0 ss:$0x81] =	vst.msk $0xffff, v1  }
0x37: {  	s15 =	sshra.s32 s19, $0x2;
	v1 =	vld [tilespmem:s18+$0xFFFFFFE0]  }
0x38: {  	s15 =	sadd.s32 s15, s16  }
0x39: {  	s18 =	sadd.s32 $0x40, s18;
	[tilespmem:s15+$0x1830 ss:$0x81] =	vst.msk $0xffff, v3  }
.Ltmp4:
0x3a: {  	_ = 	snop;
	(pc) =	sbr.rel .LBB1_4-.Ltmp4, $1  }
0x3b: {  	_ =	sdelay $0x3  }
.LBB1_6:
0x3c: {  	_ =	sfence.sel $0x180000  }
0x3d: {  	s2 =	simm.s32 $0x1;
	[bflag:$0x0] =	sbarrier.arrive $0xFFFF  }
0x3e: {  	s31 =	simm.s32 $0x2;
	[sflag:s2] =	ssyncpa.u1 $0x1  }
0x3f: {  	[sflag:s31] =	ssyncpa.u1 $0x1  }
0x40: {  	p0 =	sne.s32 s0, $0x0;
	_ =	strace $0x9000004A  }
0x41: {  	s0 =	sadd.s32 @!p0 $0x100000, s1;
	[bflag:$0x2] =	sbarrier.arrive $0xFFFF  }
0x42: {  	[sflag:s0] =	ssyncadd.tile.s32 @!p0 $0x1;
	_ =	shalt  }
.Lfunc_end1:
_tile_overlayer_lowered:
.L_overlay_start_2:
0x43: {  	(tag) =	ssettag $0x2  }
0x44: {  	s0 =	rddreg [dreg:$0x0];
	s2 =	stileid.u32  }
0x45: {  	s1 =	rddreg [dreg:$0x1];
	p0 =	sne.s32 s2, $0x0  }
0x46: {  	s3 =	rddreg [dreg:$0x2];
	[bflag:$0x3] =	sbarrier.arrive $0xFFFF;
	s2 =	simm.s32 @!p0 $0x1C01  }
0x47: {  	[timem:s3], [sflag:s2] =	dma.local @!p0 [hbm:s0], s1  }
0x48: {  	s0 =	simm.s32 @!p0 $0x1  }
0x49: {  	_ =	swait.ge @!p0 [sflag:s0], s1  }
0x4a: {  	s1 =	ssub.s32 @!p0 $0x0, s1;
	[sflag:s0] =	ssyncset.done @!p0 $0x0  }
0x4b: {  	[sflag:s0] =	ssyncadd.s32 @!p0 s1  }
0x4c: {  	[bflag:$0x3] =	sbarrier.arrive $0xFFFF  }
0x4d: {  	_ =	shalt  }

</sc_bundles>
